<compile_context>
chip_gen: v7x
topology: tpu7x:2x2x1
jax: 0.10.2.dev20260603
libtpu: 0.0.44.dev20260713+nightly
codegen_flags: <defaults>
</compile_context>

<pallas_src>
import functools

import numpy as np
import jax
import jax.numpy as jnp
from jax import lax
from jax.experimental import pallas as pl
from jax.experimental.pallas import tpu as pltpu
from jax.experimental.pallas import tpu_sc as plsc

_N = 1048576
_MESH = 2000
_W = 2 * _MESH + 1
_NWIN = 500
_NW = 32
_PPW = _N // _NW
_C = 1024
_NCHUNK = _PPW // _C
_L = 16

_DELTA = np.float32(1.0) / np.float32(_MESH)


def _basis(l):
    b0 = (l - 1.0) * (l - 2.0) * 0.5
    b1 = l * (2.0 - l)
    b2 = l * (l - 1.0) * 0.5
    return b0, b1, b2


def _cell(t):
    ei = jnp.minimum(t.astype(jnp.int32), _MESH - 1)
    loc = (t - ei.astype(jnp.float32)) * 2.0
    return ei, loc


def _one_set():
    return ([pltpu.VMEM((_C,), jnp.float32),
             pltpu.VMEM((_C,), jnp.float32)]
            + [pltpu.VMEM((_C,), jnp.int32) for _ in range(3)]
            + [pltpu.VMEM((_C, _L), jnp.float32) for _ in range(3)]
            + [pltpu.VMEM((_C,), jnp.float32),
               pltpu.SemaphoreType.DMA])


@jax.jit
def _sc_interp(x, y, wtab):
    mesh = plsc.VectorSubcoreMesh(core_axis_name="c", subcore_axis_name="s")

    @functools.partial(
        pl.kernel,
        mesh=mesh,
        out_type=jax.ShapeDtypeStruct((_N,), jnp.float32),
        scratch_types=_one_set() + _one_set(),
        compiler_params=pltpu.CompilerParams(needs_layout_passes=False,
                                             use_tc_tiling_on_sc=False),
    )
    def k(x_hbm, y_hbm, tab_hbm, out_hbm, *rest):
        sets = []
        for b in range(2):
            r = rest[b * 10:(b + 1) * 10]
            sets.append(dict(xv=r[0], yv=r[1], idxv=r[2:5], wv=r[5:8],
                             ov=r[8], sem=r[9]))
        wid = lax.axis_index("s") * 2 + lax.axis_index("c")
        base = wid * _PPW

        def load_and_fire(c, S):
            off = base + c * _C
            pltpu.sync_copy(x_hbm.at[pl.ds(off, _C)], S["xv"])
            pltpu.sync_copy(y_hbm.at[pl.ds(off, _C)], S["yv"])

            def build(i, carry2):
                s = i * _L
                ex, _ = _cell(S["xv"][pl.ds(s, _L)] / _DELTA)
                ey, _ = _cell(S["yv"][pl.ds(s, _L)] / _DELTA)
                jj = ey >> 2
                moff = (jj >> 1) + (jj & 1) * 251
                row0 = ex * 2
                for r in range(3):
                    S["idxv"][r][pl.ds(s, _L)] = (row0 + r) * 501 + moff
                return carry2

            lax.fori_loop(0, _C // _L, build, 0, unroll=False)
            return [
                pltpu.async_copy(tab_hbm.at[S["idxv"][r]], S["wv"][r],
                                 S["sem"])
                for r in range(3)
            ]

        def drain_and_accum(c, S, copies):
            for cp in copies:
                cp.wait()

            def accum(i, carry2):
                s = i * _L
                iv = lax.iota(jnp.int32, _L) + s
                _, lx = _cell(S["xv"][pl.ds(s, _L)] / _DELTA)
                ey, ly = _cell(S["yv"][pl.ds(s, _L)] / _DELTA)
                d = (ey & 3) * 2
                bx = _basis(lx)
                by = _basis(ly)
                acc = None
                for r in range(3):
                    c0 = plsc.load_gather(S["wv"][r], [iv, d])
                    c1 = plsc.load_gather(S["wv"][r], [iv, d + 1])
                    c2 = plsc.load_gather(S["wv"][r], [iv, d + 2])
                    rs = c0 * by[0] + c1 * by[1] + c2 * by[2]
                    acc = rs * bx[r] if acc is None else acc + rs * bx[r]
                S["ov"][pl.ds(s, _L)] = acc
                return carry2

            lax.fori_loop(0, _C // _L, accum, 0, unroll=False)
            off = base + c * _C
            pltpu.sync_copy(S["ov"], out_hbm.at[pl.ds(off, _C)])

        pending = load_and_fire(0, sets[0])
        for c in range(1, _NCHUNK):
            nxt = load_and_fire(c, sets[c % 2])
            drain_and_accum(c - 1, sets[(c - 1) % 2], pending)
            pending = nxt
        drain_and_accum(_NCHUNK - 1, sets[(_NCHUNK - 1) % 2], pending)

    return k(x, y, wtab)


_RB = 64
_NPROG = (_W + _RB - 1) // _RB


def _relayout_body(i_ref, o_ref):
    for rr in range(_RB):
        o_ref[pl.ds(rr * 8016, _W)] = i_ref[rr]
        o_ref[pl.ds(rr * 8016 + 4016, _W - 8)] = i_ref[rr, 8:_W]


@jax.jit
def _relayout(coe):
    wide = pl.pallas_call(
        _relayout_body,
        grid=(_NPROG,),
        in_specs=[pl.BlockSpec((_RB, _W), lambda i: (i, 0))],
        out_specs=pl.BlockSpec((_RB * 8016,), lambda i: (i,)),
        out_shape=jax.ShapeDtypeStruct((_NPROG * _RB * 8016,), jnp.float32),
    )(coe)
    return wide.reshape(_NPROG * _RB * 501, 16)


def kernel(inputs, interp_coe):
    x = inputs[:, 0]
    y = inputs[:, 1]
    return _sc_interp(x, y, _relayout(interp_coe))

# --- scband reference (transcript-rebuilt; emitter-appended) ---
"""Pipeline reference for scband-lagrange-interp-25314537243158 (READ-ONLY COPY).

The authoritative reference and input builder live on the scoring server;
editing this copy changes nothing except your own understanding.
"""

import jax, jax.numpy as jnp
import numpy as np

M = 2
D = 2
MESH_SIZE = np.array([2000, 2000])
LOWER = np.array([0.0, 0.0], dtype=np.float32)
UPPER = np.array([1.0, 1.0], dtype=np.float32)
N_POINTS = 1048576


def _offsets():
    grids = np.meshgrid(*([np.arange(D + 1)] * M), indexing='ij')
    return np.stack(grids, axis=-1).reshape(-1, M)  # [(D+1)^M, M]


def setup_inputs(seed: int = 0) -> dict:
    key = jax.random.key(seed)
    k1, k2 = jax.random.split(key)
    inputs = jax.random.uniform(k1, (N_POINTS, M), dtype=jnp.float32)
    dims = tuple(int(s) * D + 1 for s in MESH_SIZE)
    interp_coe = jax.random.normal(k2, dims, dtype=jnp.float32)
    return {"inputs": inputs, "interp_coe": interp_coe}


def reference(inputs, interp_coe):
    # piecewise Lagrange interpolation in R^m (aTEAM LagrangeInterp.forward)
    lower = jnp.asarray(LOWER)
    upper = jnp.asarray(UPPER)
    msz_f = jnp.asarray(MESH_SIZE, dtype=inputs.dtype)
    delta = (upper - lower) / msz_f
    t = (inputs - lower) / delta                      # [N, M] rescaled coords in [0, mesh_size]
    elem = jnp.floor(t)
    elem = jnp.clip(elem, 0.0, msz_f - 1.0)           # element index per dim
    local = (t - elem) * D                            # local coordinate scaled to [0, D]
    base = (elem * D).astype(jnp.int32)               # base coefficient-grid index per dim
    offs_np = _offsets()                              # [(D+1)^M, M]
    offs = jnp.asarray(offs_np, dtype=jnp.int32)
    coords = base[:, None, :] + offs[None, :, :]      # [N, K, M]
    dims = np.array([int(s) * D + 1 for s in MESH_SIZE])
    flat = coords[..., 0]
    for i in range(1, M):
        flat = flat * int(dims[i]) + coords[..., i]
    coe = jnp.take(interp_coe.reshape(-1), flat, axis=0)   # [N, K] gathered coefficients
    # Lagrange basis polynomials per dimension: base_j(x) = prod_{k!=j} (x-k)/(j-k)
    basis_list = []
    for j in range(D + 1):
        b = jnp.ones_like(local)
        for k in range(D + 1):
            if k != j:
                b = b * (local - float(k)) / float(j - k)
        basis_list.append(b)
    basis = jnp.stack(basis_list, axis=-1)            # [N, M, D+1]
    w = jnp.ones(coe.shape, dtype=inputs.dtype)
    for i in range(M):
        w = w * basis[:, i, offs_np[:, i]]            # [N, K]
    return jnp.sum(coe * w, axis=-1)                  # [N]

if __name__ == "__main__":
    import jax
    _d = setup_inputs()
    print(jax.jit(kernel)(*tuple(_d.values())))

</pallas_src>

<mosaic_0001>
module attributes {stable_mosaic.version = 14 : i64} {
  func.func @_relayout_body(%arg0: i32, %arg1: memref<64x4001xf32, #tpu.memory_space<vmem>>, %arg2: memref<513024xf32, #tpu.memory_space<vmem>>) attributes {dimension_semantics = [#tpu.dimension_semantics<arbitrary>], iteration_bounds = array<i64: 63>, scalar_prefetch = 0 : i64, scratch_operands = 0 : i64, tpu.core_type = #tpu.core_type<tc>, window_params = [{transform_indices = @transform_0, window_bounds = array<i64: 64, 4001>}, {transform_indices = @transform_1, window_bounds = array<i64: 513024>}]} {
    %get3A = arith.constant 0 : index
    %get3A_0 = arith.constant 0 : index
    %get3A_1 = vector.load %arg1[%get3A, %get3A_0] : memref<64x4001xf32, #tpu.memory_space<vmem>>, vector<1x4001xf32>
    %get3A_2 = vector.shape_cast %get3A_1 : vector<1x4001xf32> to vector<4001xf32>
    %swap3A = arith.constant 0 : index
    %swap3A_3 = vector.load %arg2[%swap3A] : memref<513024xf32, #tpu.memory_space<vmem>>, vector<4001xf32>
    tpu.vector_store %arg2[%swap3A], %get3A_2 {strides = array<i32>} : memref<513024xf32, #tpu.memory_space<vmem>>, vector<4001xf32>,
    %get3A_4 = arith.constant 0 : index
    %get3A_5 = arith.constant 8 : index
    %get3A_6 = vector.load %arg1[%get3A_4, %get3A_5] : memref<64x4001xf32, #tpu.memory_space<vmem>>, vector<1x3993xf32>
    %get3A_7 = vector.shape_cast %get3A_6 : vector<1x3993xf32> to vector<3993xf32>
    %swap3A_8 = arith.constant 4016 : index
    %swap3A_9 = vector.load %arg2[%swap3A_8] : memref<513024xf32, #tpu.memory_space<vmem>>, vector<3993xf32>
    tpu.vector_store %arg2[%swap3A_8], %get3A_7 {strides = array<i32>} : memref<513024xf32, #tpu.memory_space<vmem>>, vector<3993xf32>,
    %get3A_10 = arith.constant 1 : index
    %get3A_11 = arith.constant 0 : index
    %get3A_12 = vector.load %arg1[%get3A_10, %get3A_11] : memref<64x4001xf32, #tpu.memory_space<vmem>>, vector<1x4001xf32>
    %get3A_13 = vector.shape_cast %get3A_12 : vector<1x4001xf32> to vector<4001xf32>
    %swap3A_14 = arith.constant 8016 : index
    %swap3A_15 = vector.load %arg2[%swap3A_14] : memref<513024xf32, #tpu.memory_space<vmem>>, vector<4001xf32>
    tpu.vector_store %arg2[%swap3A_14], %get3A_13 {strides = array<i32>} : memref<513024xf32, #tpu.memory_space<vmem>>, vector<4001xf32>,
    %get3A_16 = arith.constant 1 : index
    %get3A_17 = arith.constant 8 : index
    %get3A_18 = vector.load %arg1[%get3A_16, %get3A_17] : memref<64x4001xf32, #tpu.memory_space<vmem>>, vector<1x3993xf32>
    %get3A_19 = vector.shape_cast %get3A_18 : vector<1x3993xf32> to vector<3993xf32>
    %swap3A_20 = arith.constant 12032 : index
    %swap3A_21 = vector.load %arg2[%swap3A_20] : memref<513024xf32, #tpu.memory_space<vmem>>, vector<3993xf32>
    tpu.vector_store %arg2[%swap3A_20], %get3A_19 {strides = array<i32>} : memref<513024xf32, #tpu.memory_space<vmem>>, vector<3993xf32>,
    %get3A_22 = arith.constant 2 : index
    %get3A_23 = arith.constant 0 : index
    %get3A_24 = vector.load %arg1[%get3A_22, %get3A_23] : memref<64x4001xf32, #tpu.memory_space<vmem>>, vector<1x4001xf32>
    %get3A_25 = vector.shape_cast %get3A_24 : vector<1x4001xf32> to vector<4001xf32>
    %swap3A_26 = arith.constant 16032 : index
    %swap3A_27 = vector.load %arg2[%swap3A_26] : memref<513024xf32, #tpu.memory_space<vmem>>, vector<4001xf32>
    tpu.vector_store %arg2[%swap3A_26], %get3A_25 {strides = array<i32>} : memref<513024xf32, #tpu.memory_space<vmem>>, vector<4001xf32>,
    %get3A_28 = arith.constant 2 : index
    %get3A_29 = arith.constant 8 : index
    %get3A_30 = vector.load %arg1[%get3A_28, %get3A_29] : memref<64x4001xf32, #tpu.memory_space<vmem>>, vector<1x3993xf32>
    %get3A_31 = vector.shape_cast %get3A_30 : vector<1x3993xf32> to vector<3993xf32>
    %swap3A_32 = arith.constant 20048 : index
    %swap3A_33 = vector.load %arg2[%swap3A_32] : memref<513024xf32, #tpu.memory_space<vmem>>, vector<3993xf32>
    tpu.vector_store %arg2[%swap3A_32], %get3A_31 {strides = array<i32>} : memref<513024xf32, #tpu.memory_space<vmem>>, vector<3993xf32>,
    %get3A_34 = arith.constant 3 : index
    %get3A_35 = arith.constant 0 : index
    %get3A_36 = vector.load %arg1[%get3A_34, %get3A_35] : memref<64x4001xf32, #tpu.memory_space<vmem>>, vector<1x4001xf32>
    %get3A_37 = vector.shape_cast %get3A_36 : vector<1x4001xf32> to vector<4001xf32>
    %swap3A_38 = arith.constant 24048 : index
    %swap3A_39 = vector.load %arg2[%swap3A_38] : memref<513024xf32, #tpu.memory_space<vmem>>, vector<4001xf32>
    tpu.vector_store %arg2[%swap3A_38], %get3A_37 {strides = array<i32>} : memref<513024xf32, #tpu.memory_space<vmem>>, vector<4001xf32>,
    %get3A_40 = arith.constant 3 : index
    %get3A_41 = arith.constant 8 : index
    %get3A_42 = vector.load %arg1[%get3A_40, %get3A_41] : memref<64x4001xf32, #tpu.memory_space<vmem>>, vector<1x3993xf32>
    %get3A_43 = vector.shape_cast %get3A_42 : vector<1x3993xf32> to vector<3993xf32>
    %swap3A_44 = arith.constant 28064 : index
    %swap3A_45 = vector.load %arg2[%swap3A_44] : memref<513024xf32, #tpu.memory_space<vmem>>, vector<3993xf32>
    tpu.vector_store %arg2[%swap3A_44], %get3A_43 {strides = array<i32>} : memref<513024xf32, #tpu.memory_space<vmem>>, vector<3993xf32>,
    %get3A_46 = arith.constant 4 : index
    %get3A_47 = arith.constant 0 : index
    %get3A_48 = vector.load %arg1[%get3A_46, %get3A_47] : memref<64x4001xf32, #tpu.memory_space<vmem>>, vector<1x4001xf32>
    %get3A_49 = vector.shape_cast %get3A_48 : vector<1x4001xf32> to vector<4001xf32>
    %swap3A_50 = arith.constant 32064 : index
    %swap3A_51 = vector.load %arg2[%swap3A_50] : memref<513024xf32, #tpu.memory_space<vmem>>, vector<4001xf32>
    tpu.vector_store %arg2[%swap3A_50], %get3A_49 {strides = array<i32>} : memref<513024xf32, #tpu.memory_space<vmem>>, vector<4001xf32>,
    %get3A_52 = arith.constant 4 : index
    %get3A_53 = arith.constant 8 : index
    %get3A_54 = vector.load %arg1[%get3A_52, %get3A_53] : memref<64x4001xf32, #tpu.memory_space<vmem>>, vector<1x3993xf32>
    %get3A_55 = vector.shape_cast %get3A_54 : vector<1x3993xf32> to vector<3993xf32>
    %swap3A_56 = arith.constant 36080 : index
    %swap3A_57 = vector.load %arg2[%swap3A_56] : memref<513024xf32, #tpu.memory_space<vmem>>, vector<3993xf32>
    tpu.vector_store %arg2[%swap3A_56], %get3A_55 {strides = array<i32>} : memref<513024xf32, #tpu.memory_space<vmem>>, vector<3993xf32>,
    %get3A_58 = arith.constant 5 : index
    %get3A_59 = arith.constant 0 : index
    %get3A_60 = vector.load %arg1[%get3A_58, %get3A_59] : memref<64x4001xf32, #tpu.memory_space<vmem>>, vector<1x4001xf32>
    %get3A_61 = vector.shape_cast %get3A_60 : vector<1x4001xf32> to vector<4001xf32>
    %swap3A_62 = arith.constant 40080 : index
    %swap3A_63 = vector.load %arg2[%swap3A_62] : memref<513024xf32, #tpu.memory_space<vmem>>, vector<4001xf32>
    tpu.vector_store %arg2[%swap3A_62], %get3A_61 {strides = array<i32>} : memref<513024xf32, #tpu.memory_space<vmem>>, vector<4001xf32>,
    %get3A_64 = arith.constant 5 : index
    %get3A_65 = arith.constant 8 : index
    %get3A_66 = vector.load %arg1[%get3A_64, %get3A_65] : memref<64x4001xf32, #tpu.memory_space<vmem>>, vector<1x3993xf32>
    %get3A_67 = vector.shape_cast %get3A_66 : vector<1x3993xf32> to vector<3993xf32>
    %swap3A_68 = arith.constant 44096 : index
    %swap3A_69 = vector.load %arg2[%swap3A_68] : memref<513024xf32, #tpu.memory_space<vmem>>, vector<3993xf32>
    tpu.vector_store %arg2[%swap3A_68], %get3A_67 {strides = array<i32>} : memref<513024xf32, #tpu.memory_space<vmem>>, vector<3993xf32>,
    %get3A_70 = arith.constant 6 : index
    %get3A_71 = arith.constant 0 : index
    %get3A_72 = vector.load %arg1[%get3A_70, %get3A_71] : memref<64x4001xf32, #tpu.memory_space<vmem>>, vector<1x4001xf32>
    %get3A_73 = vector.shape_cast %get3A_72 : vector<1x4001xf32> to vector<4001xf32>
    %swap3A_74 = arith.constant 48096 : index
    %swap3A_75 = vector.load %arg2[%swap3A_74] : memref<513024xf32, #tpu.memory_space<vmem>>, vector<4001xf32>
    tpu.vector_store %arg2[%swap3A_74], %get3A_73 {strides = array<i32>} : memref<513024xf32, #tpu.memory_space<vmem>>, vector<4001xf32>,
    %get3A_76 = arith.constant 6 : index
    %get3A_77 = arith.constant 8 : index
    %get3A_78 = vector.load %arg1[%get3A_76, %get3A_77] : memref<64x4001xf32, #tpu.memory_space<vmem>>, vector<1x3993xf32>
    %get3A_79 = vector.shape_cast %get3A_78 : vector<1x3993xf32> to vector<3993xf32>
    %swap3A_80 = arith.constant 52112 : index
    %swap3A_81 = vector.load %arg2[%swap3A_80] : memref<513024xf32, #tpu.memory_space<vmem>>, vector<3993xf32>
    tpu.vector_store %arg2[%swap3A_80], %get3A_79 {strides = array<i32>} : memref<513024xf32, #tpu.memory_space<vmem>>, vector<3993xf32>,
    %get3A_82 = arith.constant 7 : index
    %get3A_83 = arith.constant 0 : index
    %get3A_84 = vector.load %arg1[%get3A_82, %get3A_83] : memref<64x4001xf32, #tpu.memory_space<vmem>>, vector<1x4001xf32>
    %get3A_85 = vector.shape_cast %get3A_84 : vector<1x4001xf32> to vector<4001xf32>
    %swap3A_86 = arith.constant 56112 : index
    %swap3A_87 = vector.load %arg2[%swap3A_86] : memref<513024xf32, #tpu.memory_space<vmem>>, vector<4001xf32>
    tpu.vector_store %arg2[%swap3A_86], %get3A_85 {strides = array<i32>} : memref<513024xf32, #tpu.memory_space<vmem>>, vector<4001xf32>,
    %get3A_88 = arith.constant 7 : index
    %get3A_89 = arith.constant 8 : index
    %get3A_90 = vector.load %arg1[%get3A_88, %get3A_89] : memref<64x4001xf32, #tpu.memory_space<vmem>>, vector<1x3993xf32>
    %get3A_91 = vector.shape_cast %get3A_90 : vector<1x3993xf32> to vector<3993xf32>
    %swap3A_92 = arith.constant 60128 : index
    %swap3A_93 = vector.load %arg2[%swap3A_92] : memref<513024xf32, #tpu.memory_space<vmem>>, vector<3993xf32>
    tpu.vector_store %arg2[%swap3A_92], %get3A_91 {strides = array<i32>} : memref<513024xf32, #tpu.memory_space<vmem>>, vector<3993xf32>,
    %get3A_94 = arith.constant 8 : index
    %get3A_95 = arith.constant 0 : index
    %get3A_96 = vector.load %arg1[%get3A_94, %get3A_95] : memref<64x4001xf32, #tpu.memory_space<vmem>>, vector<1x4001xf32>
    %get3A_97 = vector.shape_cast %get3A_96 : vector<1x4001xf32> to vector<4001xf32>
    %swap3A_98 = arith.constant 64128 : index
    %swap3A_99 = vector.load %arg2[%swap3A_98] : memref<513024xf32, #tpu.memory_space<vmem>>, vector<4001xf32>
    tpu.vector_store %arg2[%swap3A_98], %get3A_97 {strides = array<i32>} : memref<513024xf32, #tpu.memory_space<vmem>>, vector<4001xf32>,
    %get3A_100 = arith.constant 8 : index
    %get3A_101 = arith.constant 8 : index
    %get3A_102 = vector.load %arg1[%get3A_100, %get3A_101] : memref<64x4001xf32, #tpu.memory_space<vmem>>, vector<1x3993xf32>
    %get3A_103 = vector.shape_cast %get3A_102 : vector<1x3993xf32> to vector<3993xf32>
    %swap3A_104 = arith.constant 68144 : index
    %swap3A_105 = vector.load %arg2[%swap3A_104] : memref<513024xf32, #tpu.memory_space<vmem>>, vector<3993xf32>
    tpu.vector_store %arg2[%swap3A_104], %get3A_103 {strides = array<i32>} : memref<513024xf32, #tpu.memory_space<vmem>>, vector<3993xf32>,
    %get3A_106 = arith.constant 9 : index
    %get3A_107 = arith.constant 0 : index
    %get3A_108 = vector.load %arg1[%get3A_106, %get3A_107] : memref<64x4001xf32, #tpu.memory_space<vmem>>, vector<1x4001xf32>
    %get3A_109 = vector.shape_cast %get3A_108 : vector<1x4001xf32> to vector<4001xf32>
    %swap3A_110 = arith.constant 72144 : index
    %swap3A_111 = vector.load %arg2[%swap3A_110] : memref<513024xf32, #tpu.memory_space<vmem>>, vector<4001xf32>
    tpu.vector_store %arg2[%swap3A_110], %get3A_109 {strides = array<i32>} : memref<513024xf32, #tpu.memory_space<vmem>>, vector<4001xf32>,
    %get3A_112 = arith.constant 9 : index
    %get3A_113 = arith.constant 8 : index
    %get3A_114 = vector.load %arg1[%get3A_112, %get3A_113] : memref<64x4001xf32, #tpu.memory_space<vmem>>, vector<1x3993xf32>
    %get3A_115 = vector.shape_cast %get3A_114 : vector<1x3993xf32> to vector<3993xf32>
    %swap3A_116 = arith.constant 76160 : index
    %swap3A_117 = vector.load %arg2[%swap3A_116] : memref<513024xf32, #tpu.memory_space<vmem>>, vector<3993xf32>
    tpu.vector_store %arg2[%swap3A_116], %get3A_115 {strides = array<i32>} : memref<513024xf32, #tpu.memory_space<vmem>>, vector<3993xf32>,
    %get3A_118 = arith.constant 10 : index
    %get3A_119 = arith.constant 0 : index
    %get3A_120 = vector.load %arg1[%get3A_118, %get3A_119] : memref<64x4001xf32, #tpu.memory_space<vmem>>, vector<1x4001xf32>
    %get3A_121 = vector.shape_cast %get3A_120 : vector<1x4001xf32> to vector<4001xf32>
    %swap3A_122 = arith.constant 80160 : index
    %swap3A_123 = vector.load %arg2[%swap3A_122] : memref<513024xf32, #tpu.memory_space<vmem>>, vector<4001xf32>
    tpu.vector_store %arg2[%swap3A_122], %get3A_121 {strides = array<i32>} : memref<513024xf32, #tpu.memory_space<vmem>>, vector<4001xf32>,
    %get3A_124 = arith.constant 10 : index
    %get3A_125 = arith.constant 8 : index
    %get3A_126 = vector.load %arg1[%get3A_124, %get3A_125] : memref<64x4001xf32, #tpu.memory_space<vmem>>, vector<1x3993xf32>
    %get3A_127 = vector.shape_cast %get3A_126 : vector<1x3993xf32> to vector<3993xf32>
    %swap3A_128 = arith.constant 84176 : index
    %swap3A_129 = vector.load %arg2[%swap3A_128] : memref<513024xf32, #tpu.memory_space<vmem>>, vector<3993xf32>
    tpu.vector_store %arg2[%swap3A_128], %get3A_127 {strides = array<i32>} : memref<513024xf32, #tpu.memory_space<vmem>>, vector<3993xf32>,
    %get3A_130 = arith.constant 11 : index
    %get3A_131 = arith.constant 0 : index
    %get3A_132 = vector.load %arg1[%get3A_130, %get3A_131] : memref<64x4001xf32, #tpu.memory_space<vmem>>, vector<1x4001xf32>
    %get3A_133 = vector.shape_cast %get3A_132 : vector<1x4001xf32> to vector<4001xf32>
    %swap3A_134 = arith.constant 88176 : index
    %swap3A_135 = vector.load %arg2[%swap3A_134] : memref<513024xf32, #tpu.memory_space<vmem>>, vector<4001xf32>
    tpu.vector_store %arg2[%swap3A_134], %get3A_133 {strides = array<i32>} : memref<513024xf32, #tpu.memory_space<vmem>>, vector<4001xf32>,
    %get3A_136 = arith.constant 11 : index
    %get3A_137 = arith.constant 8 : index
    %get3A_138 = vector.load %arg1[%get3A_136, %get3A_137] : memref<64x4001xf32, #tpu.memory_space<vmem>>, vector<1x3993xf32>
    %get3A_139 = vector.shape_cast %get3A_138 : vector<1x3993xf32> to vector<3993xf32>
    %swap3A_140 = arith.constant 92192 : index
    %swap3A_141 = vector.load %arg2[%swap3A_140] : memref<513024xf32, #tpu.memory_space<vmem>>, vector<3993xf32>
    tpu.vector_store %arg2[%swap3A_140], %get3A_139 {strides = array<i32>} : memref<513024xf32, #tpu.memory_space<vmem>>, vector<3993xf32>,
    %get3A_142 = arith.constant 12 : index
    %get3A_143 = arith.constant 0 : index
    %get3A_144 = vector.load %arg1[%get3A_142, %get3A_143] : memref<64x4001xf32, #tpu.memory_space<vmem>>, vector<1x4001xf32>
    %get3A_145 = vector.shape_cast %get3A_144 : vector<1x4001xf32> to vector<4001xf32>
    %swap3A_146 = arith.constant 96192 : index
    %swap3A_147 = vector.load %arg2[%swap3A_146] : memref<513024xf32, #tpu.memory_space<vmem>>, vector<4001xf32>
    tpu.vector_store %arg2[%swap3A_146], %get3A_145 {strides = array<i32>} : memref<513024xf32, #tpu.memory_space<vmem>>, vector<4001xf32>,
    %get3A_148 = arith.constant 12 : index
    %get3A_149 = arith.constant 8 : index
    %get3A_150 = vector.load %arg1[%get3A_148, %get3A_149] : memref<64x4001xf32, #tpu.memory_space<vmem>>, vector<1x3993xf32>
    %get3A_151 = vector.shape_cast %get3A_150 : vector<1x3993xf32> to vector<3993xf32>
    %swap3A_152 = arith.constant 100208 : index
    %swap3A_153 = vector.load %arg2[%swap3A_152] : memref<513024xf32, #tpu.memory_space<vmem>>, vector<3993xf32>
    tpu.vector_store %arg2[%swap3A_152], %get3A_151 {strides = array<i32>} : memref<513024xf32, #tpu.memory_space<vmem>>, vector<3993xf32>,
    %get3A_154 = arith.constant 13 : index
    %get3A_155 = arith.constant 0 : index
    %get3A_156 = vector.load %arg1[%get3A_154, %get3A_155] : memref<64x4001xf32, #tpu.memory_space<vmem>>, vector<1x4001xf32>
    %get3A_157 = vector.shape_cast %get3A_156 : vector<1x4001xf32> to vector<4001xf32>
    %swap3A_158 = arith.constant 104208 : index
    %swap3A_159 = vector.load %arg2[%swap3A_158] : memref<513024xf32, #tpu.memory_space<vmem>>, vector<4001xf32>
    tpu.vector_store %arg2[%swap3A_158], %get3A_157 {strides = array<i32>} : memref<513024xf32, #tpu.memory_space<vmem>>, vector<4001xf32>,
    %get3A_160 = arith.constant 13 : index
    %get3A_161 = arith.constant 8 : index
    %get3A_162 = vector.load %arg1[%get3A_160, %get3A_161] : memref<64x4001xf32, #tpu.memory_space<vmem>>, vector<1x3993xf32>
    %get3A_163 = vector.shape_cast %get3A_162 : vector<1x3993xf32> to vector<3993xf32>
    %swap3A_164 = arith.constant 108224 : index
    %swap3A_165 = vector.load %arg2[%swap3A_164] : memref<513024xf32, #tpu.memory_space<vmem>>, vector<3993xf32>
    tpu.vector_store %arg2[%swap3A_164], %get3A_163 {strides = array<i32>} : memref<513024xf32, #tpu.memory_space<vmem>>, vector<3993xf32>,
    %get3A_166 = arith.constant 14 : index
    %get3A_167 = arith.constant 0 : index
    %get3A_168 = vector.load %arg1[%get3A_166, %get3A_167] : memref<64x4001xf32, #tpu.memory_space<vmem>>, vector<1x4001xf32>
    %get3A_169 = vector.shape_cast %get3A_168 : vector<1x4001xf32> to vector<4001xf32>
    %swap3A_170 = arith.constant 112224 : index
    %swap3A_171 = vector.load %arg2[%swap3A_170] : memref<513024xf32, #tpu.memory_space<vmem>>, vector<4001xf32>
    tpu.vector_store %arg2[%swap3A_170], %get3A_169 {strides = array<i32>} : memref<513024xf32, #tpu.memory_space<vmem>>, vector<4001xf32>,
    %get3A_172 = arith.constant 14 : index
    %get3A_173 = arith.constant 8 : index
    %get3A_174 = vector.load %arg1[%get3A_172, %get3A_173] : memref<64x4001xf32, #tpu.memory_space<vmem>>, vector<1x3993xf32>
    %get3A_175 = vector.shape_cast %get3A_174 : vector<1x3993xf32> to vector<3993xf32>
    %swap3A_176 = arith.constant 116240 : index
    %swap3A_177 = vector.load %arg2[%swap3A_176] : memref<513024xf32, #tpu.memory_space<vmem>>, vector<3993xf32>
    tpu.vector_store %arg2[%swap3A_176], %get3A_175 {strides = array<i32>} : memref<513024xf32, #tpu.memory_space<vmem>>, vector<3993xf32>,
    %get3A_178 = arith.constant 15 : index
    %get3A_179 = arith.constant 0 : index
    %get3A_180 = vector.load %arg1[%get3A_178, %get3A_179] : memref<64x4001xf32, #tpu.memory_space<vmem>>, vector<1x4001xf32>
    %get3A_181 = vector.shape_cast %get3A_180 : vector<1x4001xf32> to vector<4001xf32>
    %swap3A_182 = arith.constant 120240 : index
    %swap3A_183 = vector.load %arg2[%swap3A_182] : memref<513024xf32, #tpu.memory_space<vmem>>, vector<4001xf32>
    tpu.vector_store %arg2[%swap3A_182], %get3A_181 {strides = array<i32>} : memref<513024xf32, #tpu.memory_space<vmem>>, vector<4001xf32>,
    %get3A_184 = arith.constant 15 : index
    %get3A_185 = arith.constant 8 : index
    %get3A_186 = vector.load %arg1[%get3A_184, %get3A_185] : memref<64x4001xf32, #tpu.memory_space<vmem>>, vector<1x3993xf32>
    %get3A_187 = vector.shape_cast %get3A_186 : vector<1x3993xf32> to vector<3993xf32>
    %swap3A_188 = arith.constant 124256 : index
    %swap3A_189 = vector.load %arg2[%swap3A_188] : memref<513024xf32, #tpu.memory_space<vmem>>, vector<3993xf32>
    tpu.vector_store %arg2[%swap3A_188], %get3A_187 {strides = array<i32>} : memref<513024xf32, #tpu.memory_space<vmem>>, vector<3993xf32>,
    %get3A_190 = arith.constant 16 : index
    %get3A_191 = arith.constant 0 : index
    %get3A_192 = vector.load %arg1[%get3A_190, %get3A_191] : memref<64x4001xf32, #tpu.memory_space<vmem>>, vector<1x4001xf32>
    %get3A_193 = vector.shape_cast %get3A_192 : vector<1x4001xf32> to vector<4001xf32>
    %swap3A_194 = arith.constant 128256 : index
    %swap3A_195 = vector.load %arg2[%swap3A_194] : memref<513024xf32, #tpu.memory_space<vmem>>, vector<4001xf32>
    tpu.vector_store %arg2[%swap3A_194], %get3A_193 {strides = array<i32>} : memref<513024xf32, #tpu.memory_space<vmem>>, vector<4001xf32>,
    %get3A_196 = arith.constant 16 : index
    %get3A_197 = arith.constant 8 : index
    %get3A_198 = vector.load %arg1[%get3A_196, %get3A_197] : memref<64x4001xf32, #tpu.memory_space<vmem>>, vector<1x3993xf32>
    %get3A_199 = vector.shape_cast %get3A_198 : vector<1x3993xf32> to vector<3993xf32>
    %swap3A_200 = arith.constant 132272 : index
    %swap3A_201 = vector.load %arg2[%swap3A_200] : memref<513024xf32, #tpu.memory_space<vmem>>, vector<3993xf32>
    tpu.vector_store %arg2[%swap3A_200], %get3A_199 {strides = array<i32>} : memref<513024xf32, #tpu.memory_space<vmem>>, vector<3993xf32>,
    %get3A_202 = arith.constant 17 : index
    %get3A_203 = arith.constant 0 : index
    %get3A_204 = vector.load %arg1[%get3A_202, %get3A_203] : memref<64x4001xf32, #tpu.memory_space<vmem>>, vector<1x4001xf32>
    %get3A_205 = vector.shape_cast %get3A_204 : vector<1x4001xf32> to vector<4001xf32>
    %swap3A_206 = arith.constant 136272 : index
    %swap3A_207 = vector.load %arg2[%swap3A_206] : memref<513024xf32, #tpu.memory_space<vmem>>, vector<4001xf32>
    tpu.vector_store %arg2[%swap3A_206], %get3A_205 {strides = array<i32>} : memref<513024xf32, #tpu.memory_space<vmem>>, vector<4001xf32>,
    %get3A_208 = arith.constant 17 : index
    %get3A_209 = arith.constant 8 : index
    %get3A_210 = vector.load %arg1[%get3A_208, %get3A_209] : memref<64x4001xf32, #tpu.memory_space<vmem>>, vector<1x3993xf32>
    %get3A_211 = vector.shape_cast %get3A_210 : vector<1x3993xf32> to vector<3993xf32>
    %swap3A_212 = arith.constant 140288 : index
    %swap3A_213 = vector.load %arg2[%swap3A_212] : memref<513024xf32, #tpu.memory_space<vmem>>, vector<3993xf32>
    tpu.vector_store %arg2[%swap3A_212], %get3A_211 {strides = array<i32>} : memref<513024xf32, #tpu.memory_space<vmem>>, vector<3993xf32>,
    %get3A_214 = arith.constant 18 : index
    %get3A_215 = arith.constant 0 : index
    %get3A_216 = vector.load %arg1[%get3A_214, %get3A_215] : memref<64x4001xf32, #tpu.memory_space<vmem>>, vector<1x4001xf32>
    %get3A_217 = vector.shape_cast %get3A_216 : vector<1x4001xf32> to vector<4001xf32>
    %swap3A_218 = arith.constant 144288 : index
    %swap3A_219 = vector.load %arg2[%swap3A_218] : memref<513024xf32, #tpu.memory_space<vmem>>, vector<4001xf32>
    tpu.vector_store %arg2[%swap3A_218], %get3A_217 {strides = array<i32>} : memref<513024xf32, #tpu.memory_space<vmem>>, vector<4001xf32>,
    %get3A_220 = arith.constant 18 : index
    %get3A_221 = arith.constant 8 : index
    %get3A_222 = vector.load %arg1[%get3A_220, %get3A_221] : memref<64x4001xf32, #tpu.memory_space<vmem>>, vector<1x3993xf32>
    %get3A_223 = vector.shape_cast %get3A_222 : vector<1x3993xf32> to vector<3993xf32>
    %swap3A_224 = arith.constant 148304 : index
    %swap3A_225 = vector.load %arg2[%swap3A_224] : memref<513024xf32, #tpu.memory_space<vmem>>, vector<3993xf32>
    tpu.vector_store %arg2[%swap3A_224], %get3A_223 {strides = array<i32>} : memref<513024xf32, #tpu.memory_space<vmem>>, vector<3993xf32>,
    %get3A_226 = arith.constant 19 : index
    %get3A_227 = arith.constant 0 : index
    %get3A_228 = vector.load %arg1[%get3A_226, %get3A_227] : memref<64x4001xf32, #tpu.memory_space<vmem>>, vector<1x4001xf32>
    %get3A_229 = vector.shape_cast %get3A_228 : vector<1x4001xf32> to vector<4001xf32>
    %swap3A_230 = arith.constant 152304 : index
    %swap3A_231 = vector.load %arg2[%swap3A_230] : memref<513024xf32, #tpu.memory_space<vmem>>, vector<4001xf32>
    tpu.vector_store %arg2[%swap3A_230], %get3A_229 {strides = array<i32>} : memref<513024xf32, #tpu.memory_space<vmem>>, vector<4001xf32>,
    %get3A_232 = arith.constant 19 : index
    %get3A_233 = arith.constant 8 : index
    %get3A_234 = vector.load %arg1[%get3A_232, %get3A_233] : memref<64x4001xf32, #tpu.memory_space<vmem>>, vector<1x3993xf32>
    %get3A_235 = vector.shape_cast %get3A_234 : vector<1x3993xf32> to vector<3993xf32>
    %swap3A_236 = arith.constant 156320 : index
    %swap3A_237 = vector.load %arg2[%swap3A_236] : memref<513024xf32, #tpu.memory_space<vmem>>, vector<3993xf32>
    tpu.vector_store %arg2[%swap3A_236], %get3A_235 {strides = array<i32>} : memref<513024xf32, #tpu.memory_space<vmem>>, vector<3993xf32>,
    %get3A_238 = arith.constant 20 : index
    %get3A_239 = arith.constant 0 : index
    %get3A_240 = vector.load %arg1[%get3A_238, %get3A_239] : memref<64x4001xf32, #tpu.memory_space<vmem>>, vector<1x4001xf32>
    %get3A_241 = vector.shape_cast %get3A_240 : vector<1x4001xf32> to vector<4001xf32>
    %swap3A_242 = arith.constant 160320 : index
    %swap3A_243 = vector.load %arg2[%swap3A_242] : memref<513024xf32, #tpu.memory_space<vmem>>, vector<4001xf32>
    tpu.vector_store %arg2[%swap3A_242], %get3A_241 {strides = array<i32>} : memref<513024xf32, #tpu.memory_space<vmem>>, vector<4001xf32>,
    %get3A_244 = arith.constant 20 : index
    %get3A_245 = arith.constant 8 : index
    %get3A_246 = vector.load %arg1[%get3A_244, %get3A_245] : memref<64x4001xf32, #tpu.memory_space<vmem>>, vector<1x3993xf32>
    %get3A_247 = vector.shape_cast %get3A_246 : vector<1x3993xf32> to vector<3993xf32>
    %swap3A_248 = arith.constant 164336 : index
    %swap3A_249 = vector.load %arg2[%swap3A_248] : memref<513024xf32, #tpu.memory_space<vmem>>, vector<3993xf32>
    tpu.vector_store %arg2[%swap3A_248], %get3A_247 {strides = array<i32>} : memref<513024xf32, #tpu.memory_space<vmem>>, vector<3993xf32>,
    %get3A_250 = arith.constant 21 : index
    %get3A_251 = arith.constant 0 : index
    %get3A_252 = vector.load %arg1[%get3A_250, %get3A_251] : memref<64x4001xf32, #tpu.memory_space<vmem>>, vector<1x4001xf32>
    %get3A_253 = vector.shape_cast %get3A_252 : vector<1x4001xf32> to vector<4001xf32>
    %swap3A_254 = arith.constant 168336 : index
    %swap3A_255 = vector.load %arg2[%swap3A_254] : memref<513024xf32, #tpu.memory_space<vmem>>, vector<4001xf32>
    tpu.vector_store %arg2[%swap3A_254], %get3A_253 {strides = array<i32>} : memref<513024xf32, #tpu.memory_space<vmem>>, vector<4001xf32>,
    %get3A_256 = arith.constant 21 : index
    %get3A_257 = arith.constant 8 : index
    %get3A_258 = vector.load %arg1[%get3A_256, %get3A_257] : memref<64x4001xf32, #tpu.memory_space<vmem>>, vector<1x3993xf32>
    %get3A_259 = vector.shape_cast %get3A_258 : vector<1x3993xf32> to vector<3993xf32>
    %swap3A_260 = arith.constant 172352 : index
    %swap3A_261 = vector.load %arg2[%swap3A_260] : memref<513024xf32, #tpu.memory_space<vmem>>, vector<3993xf32>
    tpu.vector_store %arg2[%swap3A_260], %get3A_259 {strides = array<i32>} : memref<513024xf32, #tpu.memory_space<vmem>>, vector<3993xf32>,
    %get3A_262 = arith.constant 22 : index
    %get3A_263 = arith.constant 0 : index
    %get3A_264 = vector.load %arg1[%get3A_262, %get3A_263] : memref<64x4001xf32, #tpu.memory_space<vmem>>, vector<1x4001xf32>
    %get3A_265 = vector.shape_cast %get3A_264 : vector<1x4001xf32> to vector<4001xf32>
    %swap3A_266 = arith.constant 176352 : index
    %swap3A_267 = vector.load %arg2[%swap3A_266] : memref<513024xf32, #tpu.memory_space<vmem>>, vector<4001xf32>
    tpu.vector_store %arg2[%swap3A_266], %get3A_265 {strides = array<i32>} : memref<513024xf32, #tpu.memory_space<vmem>>, vector<4001xf32>,
    %get3A_268 = arith.constant 22 : index
    %get3A_269 = arith.constant 8 : index
    %get3A_270 = vector.load %arg1[%get3A_268, %get3A_269] : memref<64x4001xf32, #tpu.memory_space<vmem>>, vector<1x3993xf32>
    %get3A_271 = vector.shape_cast %get3A_270 : vector<1x3993xf32> to vector<3993xf32>
    %swap3A_272 = arith.constant 180368 : index
    %swap3A_273 = vector.load %arg2[%swap3A_272] : memref<513024xf32, #tpu.memory_space<vmem>>, vector<3993xf32>
    tpu.vector_store %arg2[%swap3A_272], %get3A_271 {strides = array<i32>} : memref<513024xf32, #tpu.memory_space<vmem>>, vector<3993xf32>,
    %get3A_274 = arith.constant 23 : index
    %get3A_275 = arith.constant 0 : index
    %get3A_276 = vector.load %arg1[%get3A_274, %get3A_275] : memref<64x4001xf32, #tpu.memory_space<vmem>>, vector<1x4001xf32>
    %get3A_277 = vector.shape_cast %get3A_276 : vector<1x4001xf32> to vector<4001xf32>
    %swap3A_278 = arith.constant 184368 : index
    %swap3A_279 = vector.load %arg2[%swap3A_278] : memref<513024xf32, #tpu.memory_space<vmem>>, vector<4001xf32>
    tpu.vector_store %arg2[%swap3A_278], %get3A_277 {strides = array<i32>} : memref<513024xf32, #tpu.memory_space<vmem>>, vector<4001xf32>,
    %get3A_280 = arith.constant 23 : index
    %get3A_281 = arith.constant 8 : index
    %get3A_282 = vector.load %arg1[%get3A_280, %get3A_281] : memref<64x4001xf32, #tpu.memory_space<vmem>>, vector<1x3993xf32>
    %get3A_283 = vector.shape_cast %get3A_282 : vector<1x3993xf32> to vector<3993xf32>
    %swap3A_284 = arith.constant 188384 : index
    %swap3A_285 = vector.load %arg2[%swap3A_284] : memref<513024xf32, #tpu.memory_space<vmem>>, vector<3993xf32>
    tpu.vector_store %arg2[%swap3A_284], %get3A_283 {strides = array<i32>} : memref<513024xf32, #tpu.memory_space<vmem>>, vector<3993xf32>,
    %get3A_286 = arith.constant 24 : index
    %get3A_287 = arith.constant 0 : index
    %get3A_288 = vector.load %arg1[%get3A_286, %get3A_287] : memref<64x4001xf32, #tpu.memory_space<vmem>>, vector<1x4001xf32>
    %get3A_289 = vector.shape_cast %get3A_288 : vector<1x4001xf32> to vector<4001xf32>
    %swap3A_290 = arith.constant 192384 : index
    %swap3A_291 = vector.load %arg2[%swap3A_290] : memref<513024xf32, #tpu.memory_space<vmem>>, vector<4001xf32>
    tpu.vector_store %arg2[%swap3A_290], %get3A_289 {strides = array<i32>} : memref<513024xf32, #tpu.memory_space<vmem>>, vector<4001xf32>,
    %get3A_292 = arith.constant 24 : index
    %get3A_293 = arith.constant 8 : index
    %get3A_294 = vector.load %arg1[%get3A_292, %get3A_293] : memref<64x4001xf32, #tpu.memory_space<vmem>>, vector<1x3993xf32>
    %get3A_295 = vector.shape_cast %get3A_294 : vector<1x3993xf32> to vector<3993xf32>
    %swap3A_296 = arith.constant 196400 : index
    %swap3A_297 = vector.load %arg2[%swap3A_296] : memref<513024xf32, #tpu.memory_space<vmem>>, vector<3993xf32>
    tpu.vector_store %arg2[%swap3A_296], %get3A_295 {strides = array<i32>} : memref<513024xf32, #tpu.memory_space<vmem>>, vector<3993xf32>,
    %get3A_298 = arith.constant 25 : index
    %get3A_299 = arith.constant 0 : index
    %get3A_300 = vector.load %arg1[%get3A_298, %get3A_299] : memref<64x4001xf32, #tpu.memory_space<vmem>>, vector<1x4001xf32>
    %get3A_301 = vector.shape_cast %get3A_300 : vector<1x4001xf32> to vector<4001xf32>
    %swap3A_302 = arith.constant 200400 : index
    %swap3A_303 = vector.load %arg2[%swap3A_302] : memref<513024xf32, #tpu.memory_space<vmem>>, vector<4001xf32>
    tpu.vector_store %arg2[%swap3A_302], %get3A_301 {strides = array<i32>} : memref<513024xf32, #tpu.memory_space<vmem>>, vector<4001xf32>,
    %get3A_304 = arith.constant 25 : index
    %get3A_305 = arith.constant 8 : index
    %get3A_306 = vector.load %arg1[%get3A_304, %get3A_305] : memref<64x4001xf32, #tpu.memory_space<vmem>>, vector<1x3993xf32>
    %get3A_307 = vector.shape_cast %get3A_306 : vector<1x3993xf32> to vector<3993xf32>
    %swap3A_308 = arith.constant 204416 : index
    %swap3A_309 = vector.load %arg2[%swap3A_308] : memref<513024xf32, #tpu.memory_space<vmem>>, vector<3993xf32>
    tpu.vector_store %arg2[%swap3A_308], %get3A_307 {strides = array<i32>} : memref<513024xf32, #tpu.memory_space<vmem>>, vector<3993xf32>,
    %get3A_310 = arith.constant 26 : index
    %get3A_311 = arith.constant 0 : index
    %get3A_312 = vector.load %arg1[%get3A_310, %get3A_311] : memref<64x4001xf32, #tpu.memory_space<vmem>>, vector<1x4001xf32>
    %get3A_313 = vector.shape_cast %get3A_312 : vector<1x4001xf32> to vector<4001xf32>
    %swap3A_314 = arith.constant 208416 : index
    %swap3A_315 = vector.load %arg2[%swap3A_314] : memref<513024xf32, #tpu.memory_space<vmem>>, vector<4001xf32>
    tpu.vector_store %arg2[%swap3A_314], %get3A_313 {strides = array<i32>} : memref<513024xf32, #tpu.memory_space<vmem>>, vector<4001xf32>,
    %get3A_316 = arith.constant 26 : index
    %get3A_317 = arith.constant 8 : index
    %get3A_318 = vector.load %arg1[%get3A_316, %get3A_317] : memref<64x4001xf32, #tpu.memory_space<vmem>>, vector<1x3993xf32>
    %get3A_319 = vector.shape_cast %get3A_318 : vector<1x3993xf32> to vector<3993xf32>
    %swap3A_320 = arith.constant 212432 : index
    %swap3A_321 = vector.load %arg2[%swap3A_320] : memref<513024xf32, #tpu.memory_space<vmem>>, vector<3993xf32>
    tpu.vector_store %arg2[%swap3A_320], %get3A_319 {strides = array<i32>} : memref<513024xf32, #tpu.memory_space<vmem>>, vector<3993xf32>,
    %get3A_322 = arith.constant 27 : index
    %get3A_323 = arith.constant 0 : index
    %get3A_324 = vector.load %arg1[%get3A_322, %get3A_323] : memref<64x4001xf32, #tpu.memory_space<vmem>>, vector<1x4001xf32>
    %get3A_325 = vector.shape_cast %get3A_324 : vector<1x4001xf32> to vector<4001xf32>
    %swap3A_326 = arith.constant 216432 : index
    %swap3A_327 = vector.load %arg2[%swap3A_326] : memref<513024xf32, #tpu.memory_space<vmem>>, vector<4001xf32>
    tpu.vector_store %arg2[%swap3A_326], %get3A_325 {strides = array<i32>} : memref<513024xf32, #tpu.memory_space<vmem>>, vector<4001xf32>,
    %get3A_328 = arith.constant 27 : index
    %get3A_329 = arith.constant 8 : index
    %get3A_330 = vector.load %arg1[%get3A_328, %get3A_329] : memref<64x4001xf32, #tpu.memory_space<vmem>>, vector<1x3993xf32>
    %get3A_331 = vector.shape_cast %get3A_330 : vector<1x3993xf32> to vector<3993xf32>
    %swap3A_332 = arith.constant 220448 : index
    %swap3A_333 = vector.load %arg2[%swap3A_332] : memref<513024xf32, #tpu.memory_space<vmem>>, vector<3993xf32>
    tpu.vector_store %arg2[%swap3A_332], %get3A_331 {strides = array<i32>} : memref<513024xf32, #tpu.memory_space<vmem>>, vector<3993xf32>,
    %get3A_334 = arith.constant 28 : index
    %get3A_335 = arith.constant 0 : index
    %get3A_336 = vector.load %arg1[%get3A_334, %get3A_335] : memref<64x4001xf32, #tpu.memory_space<vmem>>, vector<1x4001xf32>
    %get3A_337 = vector.shape_cast %get3A_336 : vector<1x4001xf32> to vector<4001xf32>
    %swap3A_338 = arith.constant 224448 : index
    %swap3A_339 = vector.load %arg2[%swap3A_338] : memref<513024xf32, #tpu.memory_space<vmem>>, vector<4001xf32>
    tpu.vector_store %arg2[%swap3A_338], %get3A_337 {strides = array<i32>} : memref<513024xf32, #tpu.memory_space<vmem>>, vector<4001xf32>,
    %get3A_340 = arith.constant 28 : index
    %get3A_341 = arith.constant 8 : index
    %get3A_342 = vector.load %arg1[%get3A_340, %get3A_341] : memref<64x4001xf32, #tpu.memory_space<vmem>>, vector<1x3993xf32>
    %get3A_343 = vector.shape_cast %get3A_342 : vector<1x3993xf32> to vector<3993xf32>
    %swap3A_344 = arith.constant 228464 : index
    %swap3A_345 = vector.load %arg2[%swap3A_344] : memref<513024xf32, #tpu.memory_space<vmem>>, vector<3993xf32>
    tpu.vector_store %arg2[%swap3A_344], %get3A_343 {strides = array<i32>} : memref<513024xf32, #tpu.memory_space<vmem>>, vector<3993xf32>,
    %get3A_346 = arith.constant 29 : index
    %get3A_347 = arith.constant 0 : index
    %get3A_348 = vector.load %arg1[%get3A_346, %get3A_347] : memref<64x4001xf32, #tpu.memory_space<vmem>>, vector<1x4001xf32>
    %get3A_349 = vector.shape_cast %get3A_348 : vector<1x4001xf32> to vector<4001xf32>
    %swap3A_350 = arith.constant 232464 : index
    %swap3A_351 = vector.load %arg2[%swap3A_350] : memref<513024xf32, #tpu.memory_space<vmem>>, vector<4001xf32>
    tpu.vector_store %arg2[%swap3A_350], %get3A_349 {strides = array<i32>} : memref<513024xf32, #tpu.memory_space<vmem>>, vector<4001xf32>,
    %get3A_352 = arith.constant 29 : index
    %get3A_353 = arith.constant 8 : index
    %get3A_354 = vector.load %arg1[%get3A_352, %get3A_353] : memref<64x4001xf32, #tpu.memory_space<vmem>>, vector<1x3993xf32>
    %get3A_355 = vector.shape_cast %get3A_354 : vector<1x3993xf32> to vector<3993xf32>
    %swap3A_356 = arith.constant 236480 : index
    %swap3A_357 = vector.load %arg2[%swap3A_356] : memref<513024xf32, #tpu.memory_space<vmem>>, vector<3993xf32>
    tpu.vector_store %arg2[%swap3A_356], %get3A_355 {strides = array<i32>} : memref<513024xf32, #tpu.memory_space<vmem>>, vector<3993xf32>,
    %get3A_358 = arith.constant 30 : index
    %get3A_359 = arith.constant 0 : index
    %get3A_360 = vector.load %arg1[%get3A_358, %get3A_359] : memref<64x4001xf32, #tpu.memory_space<vmem>>, vector<1x4001xf32>
    %get3A_361 = vector.shape_cast %get3A_360 : vector<1x4001xf32> to vector<4001xf32>
    %swap3A_362 = arith.constant 240480 : index
    %swap3A_363 = vector.load %arg2[%swap3A_362] : memref<513024xf32, #tpu.memory_space<vmem>>, vector<4001xf32>
    tpu.vector_store %arg2[%swap3A_362], %get3A_361 {strides = array<i32>} : memref<513024xf32, #tpu.memory_space<vmem>>, vector<4001xf32>,
    %get3A_364 = arith.constant 30 : index
    %get3A_365 = arith.constant 8 : index
    %get3A_366 = vector.load %arg1[%get3A_364, %get3A_365] : memref<64x4001xf32, #tpu.memory_space<vmem>>, vector<1x3993xf32>
    %get3A_367 = vector.shape_cast %get3A_366 : vector<1x3993xf32> to vector<3993xf32>
    %swap3A_368 = arith.constant 244496 : index
    %swap3A_369 = vector.load %arg2[%swap3A_368] : memref<513024xf32, #tpu.memory_space<vmem>>, vector<3993xf32>
    tpu.vector_store %arg2[%swap3A_368], %get3A_367 {strides = array<i32>} : memref<513024xf32, #tpu.memory_space<vmem>>, vector<3993xf32>,
    %get3A_370 = arith.constant 31 : index
    %get3A_371 = arith.constant 0 : index
    %get3A_372 = vector.load %arg1[%get3A_370, %get3A_371] : memref<64x4001xf32, #tpu.memory_space<vmem>>, vector<1x4001xf32>
    %get3A_373 = vector.shape_cast %get3A_372 : vector<1x4001xf32> to vector<4001xf32>
    %swap3A_374 = arith.constant 248496 : index
    %swap3A_375 = vector.load %arg2[%swap3A_374] : memref<513024xf32, #tpu.memory_space<vmem>>, vector<4001xf32>
    tpu.vector_store %arg2[%swap3A_374], %get3A_373 {strides = array<i32>} : memref<513024xf32, #tpu.memory_space<vmem>>, vector<4001xf32>,
    %get3A_376 = arith.constant 31 : index
    %get3A_377 = arith.constant 8 : index
    %get3A_378 = vector.load %arg1[%get3A_376, %get3A_377] : memref<64x4001xf32, #tpu.memory_space<vmem>>, vector<1x3993xf32>
    %get3A_379 = vector.shape_cast %get3A_378 : vector<1x3993xf32> to vector<3993xf32>
    %swap3A_380 = arith.constant 252512 : index
    %swap3A_381 = vector.load %arg2[%swap3A_380] : memref<513024xf32, #tpu.memory_space<vmem>>, vector<3993xf32>
    tpu.vector_store %arg2[%swap3A_380], %get3A_379 {strides = array<i32>} : memref<513024xf32, #tpu.memory_space<vmem>>, vector<3993xf32>,
    %get3A_382 = arith.constant 32 : index
    %get3A_383 = arith.constant 0 : index
    %get3A_384 = vector.load %arg1[%get3A_382, %get3A_383] : memref<64x4001xf32, #tpu.memory_space<vmem>>, vector<1x4001xf32>
    %get3A_385 = vector.shape_cast %get3A_384 : vector<1x4001xf32> to vector<4001xf32>
    %swap3A_386 = arith.constant 256512 : index
    %swap3A_387 = vector.load %arg2[%swap3A_386] : memref<513024xf32, #tpu.memory_space<vmem>>, vector<4001xf32>
    tpu.vector_store %arg2[%swap3A_386], %get3A_385 {strides = array<i32>} : memref<513024xf32, #tpu.memory_space<vmem>>, vector<4001xf32>,
    %get3A_388 = arith.constant 32 : index
    %get3A_389 = arith.constant 8 : index
    %get3A_390 = vector.load %arg1[%get3A_388, %get3A_389] : memref<64x4001xf32, #tpu.memory_space<vmem>>, vector<1x3993xf32>
    %get3A_391 = vector.shape_cast %get3A_390 : vector<1x3993xf32> to vector<3993xf32>
    %swap3A_392 = arith.constant 260528 : index
    %swap3A_393 = vector.load %arg2[%swap3A_392] : memref<513024xf32, #tpu.memory_space<vmem>>, vector<3993xf32>
    tpu.vector_store %arg2[%swap3A_392], %get3A_391 {strides = array<i32>} : memref<513024xf32, #tpu.memory_space<vmem>>, vector<3993xf32>,
    %get3A_394 = arith.constant 33 : index
    %get3A_395 = arith.constant 0 : index
    %get3A_396 = vector.load %arg1[%get3A_394, %get3A_395] : memref<64x4001xf32, #tpu.memory_space<vmem>>, vector<1x4001xf32>
    %get3A_397 = vector.shape_cast %get3A_396 : vector<1x4001xf32> to vector<4001xf32>
    %swap3A_398 = arith.constant 264528 : index
    %swap3A_399 = vector.load %arg2[%swap3A_398] : memref<513024xf32, #tpu.memory_space<vmem>>, vector<4001xf32>
    tpu.vector_store %arg2[%swap3A_398], %get3A_397 {strides = array<i32>} : memref<513024xf32, #tpu.memory_space<vmem>>, vector<4001xf32>,
    %get3A_400 = arith.constant 33 : index
    %get3A_401 = arith.constant 8 : index
    %get3A_402 = vector.load %arg1[%get3A_400, %get3A_401] : memref<64x4001xf32, #tpu.memory_space<vmem>>, vector<1x3993xf32>
    %get3A_403 = vector.shape_cast %get3A_402 : vector<1x3993xf32> to vector<3993xf32>
    %swap3A_404 = arith.constant 268544 : index
    %swap3A_405 = vector.load %arg2[%swap3A_404] : memref<513024xf32, #tpu.memory_space<vmem>>, vector<3993xf32>
    tpu.vector_store %arg2[%swap3A_404], %get3A_403 {strides = array<i32>} : memref<513024xf32, #tpu.memory_space<vmem>>, vector<3993xf32>,
    %get3A_406 = arith.constant 34 : index
    %get3A_407 = arith.constant 0 : index
    %get3A_408 = vector.load %arg1[%get3A_406, %get3A_407] : memref<64x4001xf32, #tpu.memory_space<vmem>>, vector<1x4001xf32>
    %get3A_409 = vector.shape_cast %get3A_408 : vector<1x4001xf32> to vector<4001xf32>
    %swap3A_410 = arith.constant 272544 : index
    %swap3A_411 = vector.load %arg2[%swap3A_410] : memref<513024xf32, #tpu.memory_space<vmem>>, vector<4001xf32>
    tpu.vector_store %arg2[%swap3A_410], %get3A_409 {strides = array<i32>} : memref<513024xf32, #tpu.memory_space<vmem>>, vector<4001xf32>,
    %get3A_412 = arith.constant 34 : index
    %get3A_413 = arith.constant 8 : index
    %get3A_414 = vector.load %arg1[%get3A_412, %get3A_413] : memref<64x4001xf32, #tpu.memory_space<vmem>>, vector<1x3993xf32>
    %get3A_415 = vector.shape_cast %get3A_414 : vector<1x3993xf32> to vector<3993xf32>
    %swap3A_416 = arith.constant 276560 : index
    %swap3A_417 = vector.load %arg2[%swap3A_416] : memref<513024xf32, #tpu.memory_space<vmem>>, vector<3993xf32>
    tpu.vector_store %arg2[%swap3A_416], %get3A_415 {strides = array<i32>} : memref<513024xf32, #tpu.memory_space<vmem>>, vector<3993xf32>,
    %get3A_418 = arith.constant 35 : index
    %get3A_419 = arith.constant 0 : index
    %get3A_420 = vector.load %arg1[%get3A_418, %get3A_419] : memref<64x4001xf32, #tpu.memory_space<vmem>>, vector<1x4001xf32>
    %get3A_421 = vector.shape_cast %get3A_420 : vector<1x4001xf32> to vector<4001xf32>
    %swap3A_422 = arith.constant 280560 : index
    %swap3A_423 = vector.load %arg2[%swap3A_422] : memref<513024xf32, #tpu.memory_space<vmem>>, vector<4001xf32>
    tpu.vector_store %arg2[%swap3A_422], %get3A_421 {strides = array<i32>} : memref<513024xf32, #tpu.memory_space<vmem>>, vector<4001xf32>,
    %get3A_424 = arith.constant 35 : index
    %get3A_425 = arith.constant 8 : index
    %get3A_426 = vector.load %arg1[%get3A_424, %get3A_425] : memref<64x4001xf32, #tpu.memory_space<vmem>>, vector<1x3993xf32>
    %get3A_427 = vector.shape_cast %get3A_426 : vector<1x3993xf32> to vector<3993xf32>
    %swap3A_428 = arith.constant 284576 : index
    %swap3A_429 = vector.load %arg2[%swap3A_428] : memref<513024xf32, #tpu.memory_space<vmem>>, vector<3993xf32>
    tpu.vector_store %arg2[%swap3A_428], %get3A_427 {strides = array<i32>} : memref<513024xf32, #tpu.memory_space<vmem>>, vector<3993xf32>,
    %get3A_430 = arith.constant 36 : index
    %get3A_431 = arith.constant 0 : index
    %get3A_432 = vector.load %arg1[%get3A_430, %get3A_431] : memref<64x4001xf32, #tpu.memory_space<vmem>>, vector<1x4001xf32>
    %get3A_433 = vector.shape_cast %get3A_432 : vector<1x4001xf32> to vector<4001xf32>
    %swap3A_434 = arith.constant 288576 : index
    %swap3A_435 = vector.load %arg2[%swap3A_434] : memref<513024xf32, #tpu.memory_space<vmem>>, vector<4001xf32>
    tpu.vector_store %arg2[%swap3A_434], %get3A_433 {strides = array<i32>} : memref<513024xf32, #tpu.memory_space<vmem>>, vector<4001xf32>,
    %get3A_436 = arith.constant 36 : index
    %get3A_437 = arith.constant 8 : index
    %get3A_438 = vector.load %arg1[%get3A_436, %get3A_437] : memref<64x4001xf32, #tpu.memory_space<vmem>>, vector<1x3993xf32>
    %get3A_439 = vector.shape_cast %get3A_438 : vector<1x3993xf32> to vector<3993xf32>
    %swap3A_440 = arith.constant 292592 : index
    %swap3A_441 = vector.load %arg2[%swap3A_440] : memref<513024xf32, #tpu.memory_space<vmem>>, vector<3993xf32>
    tpu.vector_store %arg2[%swap3A_440], %get3A_439 {strides = array<i32>} : memref<513024xf32, #tpu.memory_space<vmem>>, vector<3993xf32>,
    %get3A_442 = arith.constant 37 : index
    %get3A_443 = arith.constant 0 : index
    %get3A_444 = vector.load %arg1[%get3A_442, %get3A_443] : memref<64x4001xf32, #tpu.memory_space<vmem>>, vector<1x4001xf32>
    %get3A_445 = vector.shape_cast %get3A_444 : vector<1x4001xf32> to vector<4001xf32>
    %swap3A_446 = arith.constant 296592 : index
    %swap3A_447 = vector.load %arg2[%swap3A_446] : memref<513024xf32, #tpu.memory_space<vmem>>, vector<4001xf32>
    tpu.vector_store %arg2[%swap3A_446], %get3A_445 {strides = array<i32>} : memref<513024xf32, #tpu.memory_space<vmem>>, vector<4001xf32>,
    %get3A_448 = arith.constant 37 : index
    %get3A_449 = arith.constant 8 : index
    %get3A_450 = vector.load %arg1[%get3A_448, %get3A_449] : memref<64x4001xf32, #tpu.memory_space<vmem>>, vector<1x3993xf32>
    %get3A_451 = vector.shape_cast %get3A_450 : vector<1x3993xf32> to vector<3993xf32>
    %swap3A_452 = arith.constant 300608 : index
    %swap3A_453 = vector.load %arg2[%swap3A_452] : memref<513024xf32, #tpu.memory_space<vmem>>, vector<3993xf32>
    tpu.vector_store %arg2[%swap3A_452], %get3A_451 {strides = array<i32>} : memref<513024xf32, #tpu.memory_space<vmem>>, vector<3993xf32>,
    %get3A_454 = arith.constant 38 : index
    %get3A_455 = arith.constant 0 : index
    %get3A_456 = vector.load %arg1[%get3A_454, %get3A_455] : memref<64x4001xf32, #tpu.memory_space<vmem>>, vector<1x4001xf32>
    %get3A_457 = vector.shape_cast %get3A_456 : vector<1x4001xf32> to vector<4001xf32>
    %swap3A_458 = arith.constant 304608 : index
    %swap3A_459 = vector.load %arg2[%swap3A_458] : memref<513024xf32, #tpu.memory_space<vmem>>, vector<4001xf32>
    tpu.vector_store %arg2[%swap3A_458], %get3A_457 {strides = array<i32>} : memref<513024xf32, #tpu.memory_space<vmem>>, vector<4001xf32>,
    %get3A_460 = arith.constant 38 : index
    %get3A_461 = arith.constant 8 : index
    %get3A_462 = vector.load %arg1[%get3A_460, %get3A_461] : memref<64x4001xf32, #tpu.memory_space<vmem>>, vector<1x3993xf32>
    %get3A_463 = vector.shape_cast %get3A_462 : vector<1x3993xf32> to vector<3993xf32>
    %swap3A_464 = arith.constant 308624 : index
    %swap3A_465 = vector.load %arg2[%swap3A_464] : memref<513024xf32, #tpu.memory_space<vmem>>, vector<3993xf32>
    tpu.vector_store %arg2[%swap3A_464], %get3A_463 {strides = array<i32>} : memref<513024xf32, #tpu.memory_space<vmem>>, vector<3993xf32>,
    %get3A_466 = arith.constant 39 : index
    %get3A_467 = arith.constant 0 : index
    %get3A_468 = vector.load %arg1[%get3A_466, %get3A_467] : memref<64x4001xf32, #tpu.memory_space<vmem>>, vector<1x4001xf32>
    %get3A_469 = vector.shape_cast %get3A_468 : vector<1x4001xf32> to vector<4001xf32>
    %swap3A_470 = arith.constant 312624 : index
    %swap3A_471 = vector.load %arg2[%swap3A_470] : memref<513024xf32, #tpu.memory_space<vmem>>, vector<4001xf32>
    tpu.vector_store %arg2[%swap3A_470], %get3A_469 {strides = array<i32>} : memref<513024xf32, #tpu.memory_space<vmem>>, vector<4001xf32>,
    %get3A_472 = arith.constant 39 : index
    %get3A_473 = arith.constant 8 : index
    %get3A_474 = vector.load %arg1[%get3A_472, %get3A_473] : memref<64x4001xf32, #tpu.memory_space<vmem>>, vector<1x3993xf32>
    %get3A_475 = vector.shape_cast %get3A_474 : vector<1x3993xf32> to vector<3993xf32>
    %swap3A_476 = arith.constant 316640 : index
    %swap3A_477 = vector.load %arg2[%swap3A_476] : memref<513024xf32, #tpu.memory_space<vmem>>, vector<3993xf32>
    tpu.vector_store %arg2[%swap3A_476], %get3A_475 {strides = array<i32>} : memref<513024xf32, #tpu.memory_space<vmem>>, vector<3993xf32>,
    %get3A_478 = arith.constant 40 : index
    %get3A_479 = arith.constant 0 : index
    %get3A_480 = vector.load %arg1[%get3A_478, %get3A_479] : memref<64x4001xf32, #tpu.memory_space<vmem>>, vector<1x4001xf32>
    %get3A_481 = vector.shape_cast %get3A_480 : vector<1x4001xf32> to vector<4001xf32>
    %swap3A_482 = arith.constant 320640 : index
    %swap3A_483 = vector.load %arg2[%swap3A_482] : memref<513024xf32, #tpu.memory_space<vmem>>, vector<4001xf32>
    tpu.vector_store %arg2[%swap3A_482], %get3A_481 {strides = array<i32>} : memref<513024xf32, #tpu.memory_space<vmem>>, vector<4001xf32>,
    %get3A_484 = arith.constant 40 : index
    %get3A_485 = arith.constant 8 : index
    %get3A_486 = vector.load %arg1[%get3A_484, %get3A_485] : memref<64x4001xf32, #tpu.memory_space<vmem>>, vector<1x3993xf32>
    %get3A_487 = vector.shape_cast %get3A_486 : vector<1x3993xf32> to vector<3993xf32>
    %swap3A_488 = arith.constant 324656 : index
    %swap3A_489 = vector.load %arg2[%swap3A_488] : memref<513024xf32, #tpu.memory_space<vmem>>, vector<3993xf32>
    tpu.vector_store %arg2[%swap3A_488], %get3A_487 {strides = array<i32>} : memref<513024xf32, #tpu.memory_space<vmem>>, vector<3993xf32>,
    %get3A_490 = arith.constant 41 : index
    %get3A_491 = arith.constant 0 : index
    %get3A_492 = vector.load %arg1[%get3A_490, %get3A_491] : memref<64x4001xf32, #tpu.memory_space<vmem>>, vector<1x4001xf32>
    %get3A_493 = vector.shape_cast %get3A_492 : vector<1x4001xf32> to vector<4001xf32>
    %swap3A_494 = arith.constant 328656 : index
    %swap3A_495 = vector.load %arg2[%swap3A_494] : memref<513024xf32, #tpu.memory_space<vmem>>, vector<4001xf32>
    tpu.vector_store %arg2[%swap3A_494], %get3A_493 {strides = array<i32>} : memref<513024xf32, #tpu.memory_space<vmem>>, vector<4001xf32>,
    %get3A_496 = arith.constant 41 : index
    %get3A_497 = arith.constant 8 : index
    %get3A_498 = vector.load %arg1[%get3A_496, %get3A_497] : memref<64x4001xf32, #tpu.memory_space<vmem>>, vector<1x3993xf32>
    %get3A_499 = vector.shape_cast %get3A_498 : vector<1x3993xf32> to vector<3993xf32>
    %swap3A_500 = arith.constant 332672 : index
    %swap3A_501 = vector.load %arg2[%swap3A_500] : memref<513024xf32, #tpu.memory_space<vmem>>, vector<3993xf32>
    tpu.vector_store %arg2[%swap3A_500], %get3A_499 {strides = array<i32>} : memref<513024xf32, #tpu.memory_space<vmem>>, vector<3993xf32>,
    %get3A_502 = arith.constant 42 : index
    %get3A_503 = arith.constant 0 : index
    %get3A_504 = vector.load %arg1[%get3A_502, %get3A_503] : memref<64x4001xf32, #tpu.memory_space<vmem>>, vector<1x4001xf32>
    %get3A_505 = vector.shape_cast %get3A_504 : vector<1x4001xf32> to vector<4001xf32>
    %swap3A_506 = arith.constant 336672 : index
    %swap3A_507 = vector.load %arg2[%swap3A_506] : memref<513024xf32, #tpu.memory_space<vmem>>, vector<4001xf32>
    tpu.vector_store %arg2[%swap3A_506], %get3A_505 {strides = array<i32>} : memref<513024xf32, #tpu.memory_space<vmem>>, vector<4001xf32>,
    %get3A_508 = arith.constant 42 : index
    %get3A_509 = arith.constant 8 : index
    %get3A_510 = vector.load %arg1[%get3A_508, %get3A_509] : memref<64x4001xf32, #tpu.memory_space<vmem>>, vector<1x3993xf32>
    %get3A_511 = vector.shape_cast %get3A_510 : vector<1x3993xf32> to vector<3993xf32>
    %swap3A_512 = arith.constant 340688 : index
    %swap3A_513 = vector.load %arg2[%swap3A_512] : memref<513024xf32, #tpu.memory_space<vmem>>, vector<3993xf32>
    tpu.vector_store %arg2[%swap3A_512], %get3A_511 {strides = array<i32>} : memref<513024xf32, #tpu.memory_space<vmem>>, vector<3993xf32>,
    %get3A_514 = arith.constant 43 : index
    %get3A_515 = arith.constant 0 : index
    %get3A_516 = vector.load %arg1[%get3A_514, %get3A_515] : memref<64x4001xf32, #tpu.memory_space<vmem>>, vector<1x4001xf32>
    %get3A_517 = vector.shape_cast %get3A_516 : vector<1x4001xf32> to vector<4001xf32>
    %swap3A_518 = arith.constant 344688 : index
    %swap3A_519 = vector.load %arg2[%swap3A_518] : memref<513024xf32, #tpu.memory_space<vmem>>, vector<4001xf32>
    tpu.vector_store %arg2[%swap3A_518], %get3A_517 {strides = array<i32>} : memref<513024xf32, #tpu.memory_space<vmem>>, vector<4001xf32>,
    %get3A_520 = arith.constant 43 : index
    %get3A_521 = arith.constant 8 : index
    %get3A_522 = vector.load %arg1[%get3A_520, %get3A_521] : memref<64x4001xf32, #tpu.memory_space<vmem>>, vector<1x3993xf32>
    %get3A_523 = vector.shape_cast %get3A_522 : vector<1x3993xf32> to vector<3993xf32>
    %swap3A_524 = arith.constant 348704 : index
    %swap3A_525 = vector.load %arg2[%swap3A_524] : memref<513024xf32, #tpu.memory_space<vmem>>, vector<3993xf32>
    tpu.vector_store %arg2[%swap3A_524], %get3A_523 {strides = array<i32>} : memref<513024xf32, #tpu.memory_space<vmem>>, vector<3993xf32>,
    %get3A_526 = arith.constant 44 : index
    %get3A_527 = arith.constant 0 : index
    %get3A_528 = vector.load %arg1[%get3A_526, %get3A_527] : memref<64x4001xf32, #tpu.memory_space<vmem>>, vector<1x4001xf32>
    %get3A_529 = vector.shape_cast %get3A_528 : vector<1x4001xf32> to vector<4001xf32>
    %swap3A_530 = arith.constant 352704 : index
    %swap3A_531 = vector.load %arg2[%swap3A_530] : memref<513024xf32, #tpu.memory_space<vmem>>, vector<4001xf32>
    tpu.vector_store %arg2[%swap3A_530], %get3A_529 {strides = array<i32>} : memref<513024xf32, #tpu.memory_space<vmem>>, vector<4001xf32>,
    %get3A_532 = arith.constant 44 : index
    %get3A_533 = arith.constant 8 : index
    %get3A_534 = vector.load %arg1[%get3A_532, %get3A_533] : memref<64x4001xf32, #tpu.memory_space<vmem>>, vector<1x3993xf32>
    %get3A_535 = vector.shape_cast %get3A_534 : vector<1x3993xf32> to vector<3993xf32>
    %swap3A_536 = arith.constant 356720 : index
    %swap3A_537 = vector.load %arg2[%swap3A_536] : memref<513024xf32, #tpu.memory_space<vmem>>, vector<3993xf32>
    tpu.vector_store %arg2[%swap3A_536], %get3A_535 {strides = array<i32>} : memref<513024xf32, #tpu.memory_space<vmem>>, vector<3993xf32>,
    %get3A_538 = arith.constant 45 : index
    %get3A_539 = arith.constant 0 : index
    %get3A_540 = vector.load %arg1[%get3A_538, %get3A_539] : memref<64x4001xf32, #tpu.memory_space<vmem>>, vector<1x4001xf32>
    %get3A_541 = vector.shape_cast %get3A_540 : vector<1x4001xf32> to vector<4001xf32>
    %swap3A_542 = arith.constant 360720 : index
    %swap3A_543 = vector.load %arg2[%swap3A_542] : memref<513024xf32, #tpu.memory_space<vmem>>, vector<4001xf32>
    tpu.vector_store %arg2[%swap3A_542], %get3A_541 {strides = array<i32>} : memref<513024xf32, #tpu.memory_space<vmem>>, vector<4001xf32>,
    %get3A_544 = arith.constant 45 : index
    %get3A_545 = arith.constant 8 : index
    %get3A_546 = vector.load %arg1[%get3A_544, %get3A_545] : memref<64x4001xf32, #tpu.memory_space<vmem>>, vector<1x3993xf32>
    %get3A_547 = vector.shape_cast %get3A_546 : vector<1x3993xf32> to vector<3993xf32>
    %swap3A_548 = arith.constant 364736 : index
    %swap3A_549 = vector.load %arg2[%swap3A_548] : memref<513024xf32, #tpu.memory_space<vmem>>, vector<3993xf32>
    tpu.vector_store %arg2[%swap3A_548], %get3A_547 {strides = array<i32>} : memref<513024xf32, #tpu.memory_space<vmem>>, vector<3993xf32>,
    %get3A_550 = arith.constant 46 : index
    %get3A_551 = arith.constant 0 : index
    %get3A_552 = vector.load %arg1[%get3A_550, %get3A_551] : memref<64x4001xf32, #tpu.memory_space<vmem>>, vector<1x4001xf32>
    %get3A_553 = vector.shape_cast %get3A_552 : vector<1x4001xf32> to vector<4001xf32>
    %swap3A_554 = arith.constant 368736 : index
    %swap3A_555 = vector.load %arg2[%swap3A_554] : memref<513024xf32, #tpu.memory_space<vmem>>, vector<4001xf32>
    tpu.vector_store %arg2[%swap3A_554], %get3A_553 {strides = array<i32>} : memref<513024xf32, #tpu.memory_space<vmem>>, vector<4001xf32>,
    %get3A_556 = arith.constant 46 : index
    %get3A_557 = arith.constant 8 : index
    %get3A_558 = vector.load %arg1[%get3A_556, %get3A_557] : memref<64x4001xf32, #tpu.memory_space<vmem>>, vector<1x3993xf32>
    %get3A_559 = vector.shape_cast %get3A_558 : vector<1x3993xf32> to vector<3993xf32>
    %swap3A_560 = arith.constant 372752 : index
    %swap3A_561 = vector.load %arg2[%swap3A_560] : memref<513024xf32, #tpu.memory_space<vmem>>, vector<3993xf32>
    tpu.vector_store %arg2[%swap3A_560], %get3A_559 {strides = array<i32>} : memref<513024xf32, #tpu.memory_space<vmem>>, vector<3993xf32>,
    %get3A_562 = arith.constant 47 : index
    %get3A_563 = arith.constant 0 : index
    %get3A_564 = vector.load %arg1[%get3A_562, %get3A_563] : memref<64x4001xf32, #tpu.memory_space<vmem>>, vector<1x4001xf32>
    %get3A_565 = vector.shape_cast %get3A_564 : vector<1x4001xf32> to vector<4001xf32>
    %swap3A_566 = arith.constant 376752 : index
    %swap3A_567 = vector.load %arg2[%swap3A_566] : memref<513024xf32, #tpu.memory_space<vmem>>, vector<4001xf32>
    tpu.vector_store %arg2[%swap3A_566], %get3A_565 {strides = array<i32>} : memref<513024xf32, #tpu.memory_space<vmem>>, vector<4001xf32>,
    %get3A_568 = arith.constant 47 : index
    %get3A_569 = arith.constant 8 : index
    %get3A_570 = vector.load %arg1[%get3A_568, %get3A_569] : memref<64x4001xf32, #tpu.memory_space<vmem>>, vector<1x3993xf32>
    %get3A_571 = vector.shape_cast %get3A_570 : vector<1x3993xf32> to vector<3993xf32>
    %swap3A_572 = arith.constant 380768 : index
    %swap3A_573 = vector.load %arg2[%swap3A_572] : memref<513024xf32, #tpu.memory_space<vmem>>, vector<3993xf32>
    tpu.vector_store %arg2[%swap3A_572], %get3A_571 {strides = array<i32>} : memref<513024xf32, #tpu.memory_space<vmem>>, vector<3993xf32>,
    %get3A_574 = arith.constant 48 : index
    %get3A_575 = arith.constant 0 : index
    %get3A_576 = vector.load %arg1[%get3A_574, %get3A_575] : memref<64x4001xf32, #tpu.memory_space<vmem>>, vector<1x4001xf32>
    %get3A_577 = vector.shape_cast %get3A_576 : vector<1x4001xf32> to vector<4001xf32>
    %swap3A_578 = arith.constant 384768 : index
    %swap3A_579 = vector.load %arg2[%swap3A_578] : memref<513024xf32, #tpu.memory_space<vmem>>, vector<4001xf32>
    tpu.vector_store %arg2[%swap3A_578], %get3A_577 {strides = array<i32>} : memref<513024xf32, #tpu.memory_space<vmem>>, vector<4001xf32>,
    %get3A_580 = arith.constant 48 : index
    %get3A_581 = arith.constant 8 : index
    %get3A_582 = vector.load %arg1[%get3A_580, %get3A_581] : memref<64x4001xf32, #tpu.memory_space<vmem>>, vector<1x3993xf32>
    %get3A_583 = vector.shape_cast %get3A_582 : vector<1x3993xf32> to vector<3993xf32>
    %swap3A_584 = arith.constant 388784 : index
    %swap3A_585 = vector.load %arg2[%swap3A_584] : memref<513024xf32, #tpu.memory_space<vmem>>, vector<3993xf32>
    tpu.vector_store %arg2[%swap3A_584], %get3A_583 {strides = array<i32>} : memref<513024xf32, #tpu.memory_space<vmem>>, vector<3993xf32>,
    %get3A_586 = arith.constant 49 : index
    %get3A_587 = arith.constant 0 : index
    %get3A_588 = vector.load %arg1[%get3A_586, %get3A_587] : memref<64x4001xf32, #tpu.memory_space<vmem>>, vector<1x4001xf32>
    %get3A_589 = vector.shape_cast %get3A_588 : vector<1x4001xf32> to vector<4001xf32>
    %swap3A_590 = arith.constant 392784 : index
    %swap3A_591 = vector.load %arg2[%swap3A_590] : memref<513024xf32, #tpu.memory_space<vmem>>, vector<4001xf32>
    tpu.vector_store %arg2[%swap3A_590], %get3A_589 {strides = array<i32>} : memref<513024xf32, #tpu.memory_space<vmem>>, vector<4001xf32>,
    %get3A_592 = arith.constant 49 : index
    %get3A_593 = arith.constant 8 : index
    %get3A_594 = vector.load %arg1[%get3A_592, %get3A_593] : memref<64x4001xf32, #tpu.memory_space<vmem>>, vector<1x3993xf32>
    %get3A_595 = vector.shape_cast %get3A_594 : vector<1x3993xf32> to vector<3993xf32>
    %swap3A_596 = arith.constant 396800 : index
    %swap3A_597 = vector.load %arg2[%swap3A_596] : memref<513024xf32, #tpu.memory_space<vmem>>, vector<3993xf32>
    tpu.vector_store %arg2[%swap3A_596], %get3A_595 {strides = array<i32>} : memref<513024xf32, #tpu.memory_space<vmem>>, vector<3993xf32>,
    %get3A_598 = arith.constant 50 : index
    %get3A_599 = arith.constant 0 : index
    %get3A_600 = vector.load %arg1[%get3A_598, %get3A_599] : memref<64x4001xf32, #tpu.memory_space<vmem>>, vector<1x4001xf32>
    %get3A_601 = vector.shape_cast %get3A_600 : vector<1x4001xf32> to vector<4001xf32>
    %swap3A_602 = arith.constant 400800 : index
    %swap3A_603 = vector.load %arg2[%swap3A_602] : memref<513024xf32, #tpu.memory_space<vmem>>, vector<4001xf32>
    tpu.vector_store %arg2[%swap3A_602], %get3A_601 {strides = array<i32>} : memref<513024xf32, #tpu.memory_space<vmem>>, vector<4001xf32>,
    %get3A_604 = arith.constant 50 : index
    %get3A_605 = arith.constant 8 : index
    %get3A_606 = vector.load %arg1[%get3A_604, %get3A_605] : memref<64x4001xf32, #tpu.memory_space<vmem>>, vector<1x3993xf32>
    %get3A_607 = vector.shape_cast %get3A_606 : vector<1x3993xf32> to vector<3993xf32>
    %swap3A_608 = arith.constant 404816 : index
    %swap3A_609 = vector.load %arg2[%swap3A_608] : memref<513024xf32, #tpu.memory_space<vmem>>, vector<3993xf32>
    tpu.vector_store %arg2[%swap3A_608], %get3A_607 {strides = array<i32>} : memref<513024xf32, #tpu.memory_space<vmem>>, vector<3993xf32>,
    %get3A_610 = arith.constant 51 : index
    %get3A_611 = arith.constant 0 : index
    %get3A_612 = vector.load %arg1[%get3A_610, %get3A_611] : memref<64x4001xf32, #tpu.memory_space<vmem>>, vector<1x4001xf32>
    %get3A_613 = vector.shape_cast %get3A_612 : vector<1x4001xf32> to vector<4001xf32>
    %swap3A_614 = arith.constant 408816 : index
    %swap3A_615 = vector.load %arg2[%swap3A_614] : memref<513024xf32, #tpu.memory_space<vmem>>, vector<4001xf32>
    tpu.vector_store %arg2[%swap3A_614], %get3A_613 {strides = array<i32>} : memref<513024xf32, #tpu.memory_space<vmem>>, vector<4001xf32>,
    %get3A_616 = arith.constant 51 : index
    %get3A_617 = arith.constant 8 : index
    %get3A_618 = vector.load %arg1[%get3A_616, %get3A_617] : memref<64x4001xf32, #tpu.memory_space<vmem>>, vector<1x3993xf32>
    %get3A_619 = vector.shape_cast %get3A_618 : vector<1x3993xf32> to vector<3993xf32>
    %swap3A_620 = arith.constant 412832 : index
    %swap3A_621 = vector.load %arg2[%swap3A_620] : memref<513024xf32, #tpu.memory_space<vmem>>, vector<3993xf32>
    tpu.vector_store %arg2[%swap3A_620], %get3A_619 {strides = array<i32>} : memref<513024xf32, #tpu.memory_space<vmem>>, vector<3993xf32>,
    %get3A_622 = arith.constant 52 : index
    %get3A_623 = arith.constant 0 : index
    %get3A_624 = vector.load %arg1[%get3A_622, %get3A_623] : memref<64x4001xf32, #tpu.memory_space<vmem>>, vector<1x4001xf32>
    %get3A_625 = vector.shape_cast %get3A_624 : vector<1x4001xf32> to vector<4001xf32>
    %swap3A_626 = arith.constant 416832 : index
    %swap3A_627 = vector.load %arg2[%swap3A_626] : memref<513024xf32, #tpu.memory_space<vmem>>, vector<4001xf32>
    tpu.vector_store %arg2[%swap3A_626], %get3A_625 {strides = array<i32>} : memref<513024xf32, #tpu.memory_space<vmem>>, vector<4001xf32>,
    %get3A_628 = arith.constant 52 : index
    %get3A_629 = arith.constant 8 : index
    %get3A_630 = vector.load %arg1[%get3A_628, %get3A_629] : memref<64x4001xf32, #tpu.memory_space<vmem>>, vector<1x3993xf32>
    %get3A_631 = vector.shape_cast %get3A_630 : vector<1x3993xf32> to vector<3993xf32>
    %swap3A_632 = arith.constant 420848 : index
    %swap3A_633 = vector.load %arg2[%swap3A_632] : memref<513024xf32, #tpu.memory_space<vmem>>, vector<3993xf32>
    tpu.vector_store %arg2[%swap3A_632], %get3A_631 {strides = array<i32>} : memref<513024xf32, #tpu.memory_space<vmem>>, vector<3993xf32>,
    %get3A_634 = arith.constant 53 : index
    %get3A_635 = arith.constant 0 : index
    %get3A_636 = vector.load %arg1[%get3A_634, %get3A_635] : memref<64x4001xf32, #tpu.memory_space<vmem>>, vector<1x4001xf32>
    %get3A_637 = vector.shape_cast %get3A_636 : vector<1x4001xf32> to vector<4001xf32>
    %swap3A_638 = arith.constant 424848 : index
    %swap3A_639 = vector.load %arg2[%swap3A_638] : memref<513024xf32, #tpu.memory_space<vmem>>, vector<4001xf32>
    tpu.vector_store %arg2[%swap3A_638], %get3A_637 {strides = array<i32>} : memref<513024xf32, #tpu.memory_space<vmem>>, vector<4001xf32>,
    %get3A_640 = arith.constant 53 : index
    %get3A_641 = arith.constant 8 : index
    %get3A_642 = vector.load %arg1[%get3A_640, %get3A_641] : memref<64x4001xf32, #tpu.memory_space<vmem>>, vector<1x3993xf32>
    %get3A_643 = vector.shape_cast %get3A_642 : vector<1x3993xf32> to vector<3993xf32>
    %swap3A_644 = arith.constant 428864 : index
    %swap3A_645 = vector.load %arg2[%swap3A_644] : memref<513024xf32, #tpu.memory_space<vmem>>, vector<3993xf32>
    tpu.vector_store %arg2[%swap3A_644], %get3A_643 {strides = array<i32>} : memref<513024xf32, #tpu.memory_space<vmem>>, vector<3993xf32>,
    %get3A_646 = arith.constant 54 : index
    %get3A_647 = arith.constant 0 : index
    %get3A_648 = vector.load %arg1[%get3A_646, %get3A_647] : memref<64x4001xf32, #tpu.memory_space<vmem>>, vector<1x4001xf32>
    %get3A_649 = vector.shape_cast %get3A_648 : vector<1x4001xf32> to vector<4001xf32>
    %swap3A_650 = arith.constant 432864 : index
    %swap3A_651 = vector.load %arg2[%swap3A_650] : memref<513024xf32, #tpu.memory_space<vmem>>, vector<4001xf32>
    tpu.vector_store %arg2[%swap3A_650], %get3A_649 {strides = array<i32>} : memref<513024xf32, #tpu.memory_space<vmem>>, vector<4001xf32>,
    %get3A_652 = arith.constant 54 : index
    %get3A_653 = arith.constant 8 : index
    %get3A_654 = vector.load %arg1[%get3A_652, %get3A_653] : memref<64x4001xf32, #tpu.memory_space<vmem>>, vector<1x3993xf32>
    %get3A_655 = vector.shape_cast %get3A_654 : vector<1x3993xf32> to vector<3993xf32>
    %swap3A_656 = arith.constant 436880 : index
    %swap3A_657 = vector.load %arg2[%swap3A_656] : memref<513024xf32, #tpu.memory_space<vmem>>, vector<3993xf32>
    tpu.vector_store %arg2[%swap3A_656], %get3A_655 {strides = array<i32>} : memref<513024xf32, #tpu.memory_space<vmem>>, vector<3993xf32>,
    %get3A_658 = arith.constant 55 : index
    %get3A_659 = arith.constant 0 : index
    %get3A_660 = vector.load %arg1[%get3A_658, %get3A_659] : memref<64x4001xf32, #tpu.memory_space<vmem>>, vector<1x4001xf32>
    %get3A_661 = vector.shape_cast %get3A_660 : vector<1x4001xf32> to vector<4001xf32>
    %swap3A_662 = arith.constant 440880 : index
    %swap3A_663 = vector.load %arg2[%swap3A_662] : memref<513024xf32, #tpu.memory_space<vmem>>, vector<4001xf32>
    tpu.vector_store %arg2[%swap3A_662], %get3A_661 {strides = array<i32>} : memref<513024xf32, #tpu.memory_space<vmem>>, vector<4001xf32>,
    %get3A_664 = arith.constant 55 : index
    %get3A_665 = arith.constant 8 : index
    %get3A_666 = vector.load %arg1[%get3A_664, %get3A_665] : memref<64x4001xf32, #tpu.memory_space<vmem>>, vector<1x3993xf32>
    %get3A_667 = vector.shape_cast %get3A_666 : vector<1x3993xf32> to vector<3993xf32>
    %swap3A_668 = arith.constant 444896 : index
    %swap3A_669 = vector.load %arg2[%swap3A_668] : memref<513024xf32, #tpu.memory_space<vmem>>, vector<3993xf32>
    tpu.vector_store %arg2[%swap3A_668], %get3A_667 {strides = array<i32>} : memref<513024xf32, #tpu.memory_space<vmem>>, vector<3993xf32>,
    %get3A_670 = arith.constant 56 : index
    %get3A_671 = arith.constant 0 : index
    %get3A_672 = vector.load %arg1[%get3A_670, %get3A_671] : memref<64x4001xf32, #tpu.memory_space<vmem>>, vector<1x4001xf32>
    %get3A_673 = vector.shape_cast %get3A_672 : vector<1x4001xf32> to vector<4001xf32>
    %swap3A_674 = arith.constant 448896 : index
    %swap3A_675 = vector.load %arg2[%swap3A_674] : memref<513024xf32, #tpu.memory_space<vmem>>, vector<4001xf32>
    tpu.vector_store %arg2[%swap3A_674], %get3A_673 {strides = array<i32>} : memref<513024xf32, #tpu.memory_space<vmem>>, vector<4001xf32>,
    %get3A_676 = arith.constant 56 : index
    %get3A_677 = arith.constant 8 : index
    %get3A_678 = vector.load %arg1[%get3A_676, %get3A_677] : memref<64x4001xf32, #tpu.memory_space<vmem>>, vector<1x3993xf32>
    %get3A_679 = vector.shape_cast %get3A_678 : vector<1x3993xf32> to vector<3993xf32>
    %swap3A_680 = arith.constant 452912 : index
    %swap3A_681 = vector.load %arg2[%swap3A_680] : memref<513024xf32, #tpu.memory_space<vmem>>, vector<3993xf32>
    tpu.vector_store %arg2[%swap3A_680], %get3A_679 {strides = array<i32>} : memref<513024xf32, #tpu.memory_space<vmem>>, vector<3993xf32>,
    %get3A_682 = arith.constant 57 : index
    %get3A_683 = arith.constant 0 : index
    %get3A_684 = vector.load %arg1[%get3A_682, %get3A_683] : memref<64x4001xf32, #tpu.memory_space<vmem>>, vector<1x4001xf32>
    %get3A_685 = vector.shape_cast %get3A_684 : vector<1x4001xf32> to vector<4001xf32>
    %swap3A_686 = arith.constant 456912 : index
    %swap3A_687 = vector.load %arg2[%swap3A_686] : memref<513024xf32, #tpu.memory_space<vmem>>, vector<4001xf32>
    tpu.vector_store %arg2[%swap3A_686], %get3A_685 {strides = array<i32>} : memref<513024xf32, #tpu.memory_space<vmem>>, vector<4001xf32>,
    %get3A_688 = arith.constant 57 : index
    %get3A_689 = arith.constant 8 : index
    %get3A_690 = vector.load %arg1[%get3A_688, %get3A_689] : memref<64x4001xf32, #tpu.memory_space<vmem>>, vector<1x3993xf32>
    %get3A_691 = vector.shape_cast %get3A_690 : vector<1x3993xf32> to vector<3993xf32>
    %swap3A_692 = arith.constant 460928 : index
    %swap3A_693 = vector.load %arg2[%swap3A_692] : memref<513024xf32, #tpu.memory_space<vmem>>, vector<3993xf32>
    tpu.vector_store %arg2[%swap3A_692], %get3A_691 {strides = array<i32>} : memref<513024xf32, #tpu.memory_space<vmem>>, vector<3993xf32>,
    %get3A_694 = arith.constant 58 : index
    %get3A_695 = arith.constant 0 : index
    %get3A_696 = vector.load %arg1[%get3A_694, %get3A_695] : memref<64x4001xf32, #tpu.memory_space<vmem>>, vector<1x4001xf32>
    %get3A_697 = vector.shape_cast %get3A_696 : vector<1x4001xf32> to vector<4001xf32>
    %swap3A_698 = arith.constant 464928 : index
    %swap3A_699 = vector.load %arg2[%swap3A_698] : memref<513024xf32, #tpu.memory_space<vmem>>, vector<4001xf32>
    tpu.vector_store %arg2[%swap3A_698], %get3A_697 {strides = array<i32>} : memref<513024xf32, #tpu.memory_space<vmem>>, vector<4001xf32>,
    %get3A_700 = arith.constant 58 : index
    %get3A_701 = arith.constant 8 : index
    %get3A_702 = vector.load %arg1[%get3A_700, %get3A_701] : memref<64x4001xf32, #tpu.memory_space<vmem>>, vector<1x3993xf32>
    %get3A_703 = vector.shape_cast %get3A_702 : vector<1x3993xf32> to vector<3993xf32>
    %swap3A_704 = arith.constant 468944 : index
    %swap3A_705 = vector.load %arg2[%swap3A_704] : memref<513024xf32, #tpu.memory_space<vmem>>, vector<3993xf32>
    tpu.vector_store %arg2[%swap3A_704], %get3A_703 {strides = array<i32>} : memref<513024xf32, #tpu.memory_space<vmem>>, vector<3993xf32>,
    %get3A_706 = arith.constant 59 : index
    %get3A_707 = arith.constant 0 : index
    %get3A_708 = vector.load %arg1[%get3A_706, %get3A_707] : memref<64x4001xf32, #tpu.memory_space<vmem>>, vector<1x4001xf32>
    %get3A_709 = vector.shape_cast %get3A_708 : vector<1x4001xf32> to vector<4001xf32>
    %swap3A_710 = arith.constant 472944 : index
    %swap3A_711 = vector.load %arg2[%swap3A_710] : memref<513024xf32, #tpu.memory_space<vmem>>, vector<4001xf32>
    tpu.vector_store %arg2[%swap3A_710], %get3A_709 {strides = array<i32>} : memref<513024xf32, #tpu.memory_space<vmem>>, vector<4001xf32>,
    %get3A_712 = arith.constant 59 : index
    %get3A_713 = arith.constant 8 : index
    %get3A_714 = vector.load %arg1[%get3A_712, %get3A_713] : memref<64x4001xf32, #tpu.memory_space<vmem>>, vector<1x3993xf32>
    %get3A_715 = vector.shape_cast %get3A_714 : vector<1x3993xf32> to vector<3993xf32>
    %swap3A_716 = arith.constant 476960 : index
    %swap3A_717 = vector.load %arg2[%swap3A_716] : memref<513024xf32, #tpu.memory_space<vmem>>, vector<3993xf32>
    tpu.vector_store %arg2[%swap3A_716], %get3A_715 {strides = array<i32>} : memref<513024xf32, #tpu.memory_space<vmem>>, vector<3993xf32>,
    %get3A_718 = arith.constant 60 : index
    %get3A_719 = arith.constant 0 : index
    %get3A_720 = vector.load %arg1[%get3A_718, %get3A_719] : memref<64x4001xf32, #tpu.memory_space<vmem>>, vector<1x4001xf32>
    %get3A_721 = vector.shape_cast %get3A_720 : vector<1x4001xf32> to vector<4001xf32>
    %swap3A_722 = arith.constant 480960 : index
    %swap3A_723 = vector.load %arg2[%swap3A_722] : memref<513024xf32, #tpu.memory_space<vmem>>, vector<4001xf32>
    tpu.vector_store %arg2[%swap3A_722], %get3A_721 {strides = array<i32>} : memref<513024xf32, #tpu.memory_space<vmem>>, vector<4001xf32>,
    %get3A_724 = arith.constant 60 : index
    %get3A_725 = arith.constant 8 : index
    %get3A_726 = vector.load %arg1[%get3A_724, %get3A_725] : memref<64x4001xf32, #tpu.memory_space<vmem>>, vector<1x3993xf32>
    %get3A_727 = vector.shape_cast %get3A_726 : vector<1x3993xf32> to vector<3993xf32>
    %swap3A_728 = arith.constant 484976 : index
    %swap3A_729 = vector.load %arg2[%swap3A_728] : memref<513024xf32, #tpu.memory_space<vmem>>, vector<3993xf32>
    tpu.vector_store %arg2[%swap3A_728], %get3A_727 {strides = array<i32>} : memref<513024xf32, #tpu.memory_space<vmem>>, vector<3993xf32>,
    %get3A_730 = arith.constant 61 : index
    %get3A_731 = arith.constant 0 : index
    %get3A_732 = vector.load %arg1[%get3A_730, %get3A_731] : memref<64x4001xf32, #tpu.memory_space<vmem>>, vector<1x4001xf32>
    %get3A_733 = vector.shape_cast %get3A_732 : vector<1x4001xf32> to vector<4001xf32>
    %swap3A_734 = arith.constant 488976 : index
    %swap3A_735 = vector.load %arg2[%swap3A_734] : memref<513024xf32, #tpu.memory_space<vmem>>, vector<4001xf32>
    tpu.vector_store %arg2[%swap3A_734], %get3A_733 {strides = array<i32>} : memref<513024xf32, #tpu.memory_space<vmem>>, vector<4001xf32>,
    %get3A_736 = arith.constant 61 : index
    %get3A_737 = arith.constant 8 : index
    %get3A_738 = vector.load %arg1[%get3A_736, %get3A_737] : memref<64x4001xf32, #tpu.memory_space<vmem>>, vector<1x3993xf32>
    %get3A_739 = vector.shape_cast %get3A_738 : vector<1x3993xf32> to vector<3993xf32>
    %swap3A_740 = arith.constant 492992 : index
    %swap3A_741 = vector.load %arg2[%swap3A_740] : memref<513024xf32, #tpu.memory_space<vmem>>, vector<3993xf32>
    tpu.vector_store %arg2[%swap3A_740], %get3A_739 {strides = array<i32>} : memref<513024xf32, #tpu.memory_space<vmem>>, vector<3993xf32>,
    %get3A_742 = arith.constant 62 : index
    %get3A_743 = arith.constant 0 : index
    %get3A_744 = vector.load %arg1[%get3A_742, %get3A_743] : memref<64x4001xf32, #tpu.memory_space<vmem>>, vector<1x4001xf32>
    %get3A_745 = vector.shape_cast %get3A_744 : vector<1x4001xf32> to vector<4001xf32>
    %swap3A_746 = arith.constant 496992 : index
    %swap3A_747 = vector.load %arg2[%swap3A_746] : memref<513024xf32, #tpu.memory_space<vmem>>, vector<4001xf32>
    tpu.vector_store %arg2[%swap3A_746], %get3A_745 {strides = array<i32>} : memref<513024xf32, #tpu.memory_space<vmem>>, vector<4001xf32>,
    %get3A_748 = arith.constant 62 : index
    %get3A_749 = arith.constant 8 : index
    %get3A_750 = vector.load %arg1[%get3A_748, %get3A_749] : memref<64x4001xf32, #tpu.memory_space<vmem>>, vector<1x3993xf32>
    %get3A_751 = vector.shape_cast %get3A_750 : vector<1x3993xf32> to vector<3993xf32>
    %swap3A_752 = arith.constant 501008 : index
    %swap3A_753 = vector.load %arg2[%swap3A_752] : memref<513024xf32, #tpu.memory_space<vmem>>, vector<3993xf32>
    tpu.vector_store %arg2[%swap3A_752], %get3A_751 {strides = array<i32>} : memref<513024xf32, #tpu.memory_space<vmem>>, vector<3993xf32>,
    %get3A_754 = arith.constant 63 : index
    %get3A_755 = arith.constant 0 : index
    %get3A_756 = vector.load %arg1[%get3A_754, %get3A_755] : memref<64x4001xf32, #tpu.memory_space<vmem>>, vector<1x4001xf32>
    %get3A_757 = vector.shape_cast %get3A_756 : vector<1x4001xf32> to vector<4001xf32>
    %swap3A_758 = arith.constant 505008 : index
    %swap3A_759 = vector.load %arg2[%swap3A_758] : memref<513024xf32, #tpu.memory_space<vmem>>, vector<4001xf32>
    tpu.vector_store %arg2[%swap3A_758], %get3A_757 {strides = array<i32>} : memref<513024xf32, #tpu.memory_space<vmem>>, vector<4001xf32>,
    %get3A_760 = arith.constant 63 : index
    %get3A_761 = arith.constant 8 : index
    %get3A_762 = vector.load %arg1[%get3A_760, %get3A_761] : memref<64x4001xf32, #tpu.memory_space<vmem>>, vector<1x3993xf32>
    %get3A_763 = vector.shape_cast %get3A_762 : vector<1x3993xf32> to vector<3993xf32>
    %swap3A_764 = arith.constant 509024 : index
    %swap3A_765 = vector.load %arg2[%swap3A_764] : memref<513024xf32, #tpu.memory_space<vmem>>, vector<3993xf32>
    tpu.vector_store %arg2[%swap3A_764], %get3A_763 {strides = array<i32>} : memref<513024xf32, #tpu.memory_space<vmem>>, vector<3993xf32>,
    return
  }
  func.func @transform_0(%arg0: i32) -> (i32, i32) {
    %c0_i32 = arith.constant 0 : i32
    %c0_i32_0 = arith.constant 0 : i32
    return %arg0, %c0_i32 : i32, i32
  }
  func.func @transform_1(%arg0: i32) -> i32 {
    %c0_i32 = arith.constant 0 : i32
    return %arg0 : i32
  }
}

</mosaic_0001>

<sc_bundles>
// kernel: sparse-core-data-format-call.cloned.1.call-start
scs
called_computation_lowered:
.L_overlay_start_0:
0x0: {  	s2 =	sld [smem:$0x3FD9]  }
0x1: {  	s3 =	sld [smem:$0x3FFE];
	_ =	sdelay $0x1  }
0x2: {  	s1 =	srdreg.scid  }
0x3: {  	s0 =	sand.u32 $0x1, s1  }
0x4: {  	s18 =	sshll.u32 s0, $0xA;
	s2 =	sadd.s32 s3, s2  }
0x5: {  	s2 =	sadd.s32 s2, s18  }
0x6: {  	[smem:$0x3FC7] =	sst s2  }
0x7: {  	_ = 	snop  }
0x8: {  	s2 =	sld [smem:$0x3FD0];
	(tm) =	ssettm $0x1  }
0x9: {  	s19 =	sld [smem:$0x3FFB];
	_ =	sdelay $0x3  }
0xa: {  	_ =	strace s19  }
0xb: {  	s3 =	sld [smem:$0x3FFC];
	_ =	sdelay $0x3  }
0xc: {  	_ =	strace s3  }
0xd: {  	s3 =	sld [smem:$0x3FFD];
	_ =	sdelay $0x3  }
0xe: {  	_ =	strace s3  }
0xf: {  	_ =	strace $0x8FFFFFFF  }
0x10: {  	s20 =	sld [smem:$0x3FDB];
	_ =	sdelay $0x1  }
0x11: {  	s4 =	simm.s32 $_scs_section_size  }
0x12: {  	s5 =	simm.s32 $_size__tile_overlayer_lowered;
	s6 =	simm.s32 $_tile_overlayer_lowered  }
0x13: {  	s23 =	simm.s32 $0x1BFF;
	s22 =	sshll.u32 s6, $0x1;
	s3 =	sadd.s32 s4, s20  }
0x14: {  	s7 =	simm.s32 $0x0;
	s21 =	sshll.u32 s5, $0x1;
	s5 =	sadd.s32 s22, s3  }
0x15: {  	[timem:s7], [sflag:s23] =	dma.local [hbm:s5], s21  }
0x16: {  	_ =	swait.ge [sflag:s23], s21  }
0x17: {  	s4 =	ssub.s32 $0x0, s21;
	[sflag:s23] =	ssyncset.done $0x0  }
0x18: {  	[sflag:s23] =	ssyncadd.s32 s4;
	_ =	sdelay $0x1  }
0x19: {  	s24 =	simm.s32 $0x1B8B  }
0x1a: {  	_ =	swait.ge [sflag:s24], $0x1  }
0x1b: {  	[sflag:s24] =	ssyncset.done $0x0  }
0x1c: {  	s26 =	simm.s32 $0x1B8E;
	s25 =	sld [smem:$0x3FFE];
	[sflag:s24] =	ssyncadd.s32 $0xFFFFFFFF  }
0x1d: {  	s27 =	simm.s32 $execute0_lowered;
	[smem:$0x3FD2] =	sst s26  }
0x1e: {  	s5 =	sshll.u32 s27, $0x1;
	_ =	strace $0x80000046;
	[dreg:$0x1] =	wrdreg $0xFFFFFFFF  }
0x1f: {  	s28 =	simm.s32 $_size_execute0_lowered;
	s3 =	sadd.s32 s3, s5;
	[dreg:$0x0] =	wrdreg $0x0  }
0x20: {  	s5 =	sshll.u32 s28, $0x1;
	[dreg:$0x2] =	wrdreg s3  }
0x21: {  	[dreg:$0x3] =	wrdreg s5  }
0x22: {  	[dreg:$0x4] =	wrdreg $0xC0  }
0x23: {  	_ =	task [dreg:s7], $0x5FFFF  }
0x24: {  	[dreg:$0x1] =	wrdreg $0xFFFFFFFF  }
0x25: {  	[dreg:$0x0] =	wrdreg $0x60  }
0x26: {  	[dreg:$0x2] =	wrdreg s25  }
0x27: {  	[dreg:$0x3] =	wrdreg s2  }
0x28: {  	[dreg:$0x4] =	wrdreg $0x9  }
0x29: {  	_ =	task.clear_ibuf [dreg:s7], $0x5FFFF;
	_ =	strace $0x90000046  }
0x2a: {  	s29 =	simm.s32 $0x9;
	_ =	strace $0x80000048  }
0x2b: {  	_ =	swait.ge [sflag:s29], $0x1  }
0x2c: {  	[sflag:s29] =	ssyncadd.s32 $0xFFFFFFFF  }
0x2d: {  	_ =	strace $0x90000048  }
0x2e: {  	_ =	sfence  }
0x2f: {  	s30 =	sld [smem:$0x0];
	_ =	sdelay $0x2  }
0x30: {  	s31 =	sshll.u32 s1, $0xD;
	s1 =	sshrl.u32 s1, $0x2  }
0x31: {  	s3 =	sand.u32 $0x4000, s31;
	s1 =	sadd.s32 s1, s30  }
0x32: {  	s0 =	sor.u32 s3, s0;
	s1 =	sshll.u32 s1, $0x11  }
0x33: {  	s0 =	sor.u32 s1, s0  }
0x34: {  	s0 =	sadd.s32 $0x8F2B, s0  }
0x35: {  	[sflag:s0] =	ssyncadd.remote.s32 $0x1  }
0x36: {  	_ =	sfence.sel $0xFFFF  }
0x37: {  	[dreg:$0x0] =	wrdreg $0xFFFFFFFF;
	(pc) =	sbr.abs _section_cstart, $3  }
0x38: {  	[dreg:$0x1] =	wrdreg $0xFFFFFFFF  }
0x39: {  	_ =	task.clear_ibuf [dreg:s7], $0x2FFFF;
	_ =	strace $0x9FFFFFFF  }
0x3a: {  	(tm) =	ssettm $0x7FFFFFFF  }
0x3b: {  	_ =	shalt  }
tec
execute0_lowered:
.L_overlay_start_1:
0x0: {  	(tag) =	ssettag $0x1  }
0x1: {  	s4 =	rddreg [dreg:$0x0]  }
0x2: {  	s0 =	srdreg.scid;
	s2 =	rddreg [dreg:$0x1]  }
0x3: {  	s1 =	stileid.u32;
	s5 =	simm.s32 $0x1;
	s0 =	sshll.u32 s0, $0x4  }
0x4: {  	s7 =	simm.s32 $0x2;
	s11 =	simm.s32 $0x0;
	s3 =	sand.u32 $0x10, s0  }
.Ltmp0:
0x5: {  	p0 =	por $0x0, $0x0;
	s3 =	sor.u32 s1, s3;
	(pc) =	sbr.rel .LBB1_1-.Ltmp0, $4  }
0x6: {  	s8 =	simm.s32 $0xF69800;
	s10 =	simm.s32 $0x0;
	s3 =	sshll.u32 s3, $0x7  }
0x7: {  	s0 =	rddreg [dreg:$0x2];
	_ =	strace $0x80000047;
	s6 =	ssub.s32 $0x1ED280, s3  }
0x8: {  	s4 =	sadd.s32 $0x400, s4;
	[sflag:s5] =	ssyncpa.u1 $0x0;
	s6 =	sshrl.u32 s6, $0xC  }
0x9: {  	[sflag:s7] =	ssyncpa.u1 $0x0;
	s9 =	smov.u32 s3;
	s7 =	sor.u32 $0x2, s6  }
.LBB1_5:
0xa: {  	s13 =	sadd.s32 $0x1000, s9  }
0xb: {  	p2 =	sgt.s32 s13, $0x1ED2BF  }
0xc: {  	s13 =	smov.u32 @p2 s3;
	p2 =	sne.s32 s10, s7  }
.Ltmp1:
0xd: {  	p1 =	slt.u32 s10, $0x2;
	(pc) =	sbr.rel @!p2 .LBB1_6-.Ltmp1, $4  }
0xe: {  	s12 =	simm.s32 @!p1 $0x2  }
0xf: {  	s14 =	sadd.s32 $0x1, s10;
	_ =	swait.ge @!p1 [sflag:s12], $0x800  }
0x10: {  	s11 =	smov.u32 s9;
	p0 =	por !p0, !p0;
	[sflag:s12] =	ssyncset.done @!p1 $0x0  }
0x11: {  	s10 =	smov.u32 s14;
	s9 =	smov.u32 s13;
	[sflag:s12] =	ssyncadd.s32 @!p1 $0xFFFFF800  }
.LBB1_1:
0x12: {  	p1 =	sgt.u32 s10, s6  }
0x13: {  	s13 =	smov.u32 s9;
	p2 =	sgt.s32 @!p1 s9, $0x1ED240  }
0x14: {  	s12 =	sand.u32 @!p1 $0x1FFFFFF, s9;
	s14 =	sshra.s32 @!p1 s9, $0x1F;
	p2 =	por !p2, p1  }
0x15: {  	s15 =	smulhi.u32 @!p1 $0x2138C05, s12;
	s14 =	sand.u32 @!p1 s14, s9;
	s13 =	simm.s32 @p2 $0x1ED240  }
0x16: {  	s13 =	ssub.s32 @!p1 s13, s14  }
0x17: {  	s14 =	sshrl.u32 @!p1 s15, $0xE;
	s13 =	sadd.s32 @!p1 $0xFFE12DC0, s13  }
0x18: {  	s15 =	sxor.u32 @!p1 $0xFFFFFFFF, s10;
	s14 =	smul.u32 @!p1 $0x1ED2C0, s14;
	s16 =	sshll.u32 @!p1 s13, $0x6  }
0x19: {  	s15 =	sshll.u32 @!p1 s15, $0xB;
	p2 =	sgt.s32 @!p1 s13, $0x7F;
	s13 =	ssub.s32 @!p1 $0x2000, s16  }
0x1a: {  	s12 =	ssub.s32 @!p1 s12, s14;
	p2 =	por !p2, p1;
	s14 =	sand.u32 @!p1 $0x800, s15  }
0x1b: {  	s15 =	simm.s32 @!p1 $0x10;
	s13 =	sshrl.u32 @!p1 s13, $0x2;
	s12 =	sshll.u32 @!p1 s12, $0x4  }
0x1c: {  	s16 =	simm.s32 @!p1 $0x80;
	s13 =	simm.s32 @!p2 $0x0;
	s12 =	sadd.s32 @!p1 s4, s12  }
0x1d: {  	[tilespmem:s14], [sflag:$0x1] =	stream.strided.gather @!p1 [hbm4b:s12+s15], s13, s16, s15, $0x38;
	[tilespmem:$0x2020] =	vst v63  }
0x1e: {  	p1 =	seq.s32 s10, $0x0  }
0x1f: {  	p2 =	sge.u32 @!p1 s10, s7  }
0x20: {  	p1 =	por p1, p2  }
.Ltmp2:
0x21: {  	_ = 	snop;
	(pc) =	sbr.rel @p1 .LBB1_5-.Ltmp2, $1  }
0x22: {  	_ =	sdelay $0x3  }
0x23: {  	p1 =	sgt.s32 s11, $0x1ED240;
	s12 =	smov.u32 s11;
	s13 =	sshra.s32 s11, $0x1F  }
0x24: {  	s12 =	simm.s32 @!p1 $0x1ED240;
	s13 =	sand.u32 s13, s11  }
0x25: {  	s12 =	ssub.s32 s12, s13  }
0x26: {  	s12 =	sadd.s32 $0xFFE12DC0, s12  }
0x27: {  	s29 =	sshll.u32 s12, $0x6  }
0x28: {  	s13 =	ssub.s32 $0x2000, s29  }
0x29: {  	p1 =	sgt.s32 s12, $0x7F;
	s12 =	sshrl.u32 s13, $0x2  }
0x2a: {  	s13 =	simm.s32 $0x1;
	s12 =	simm.s32 @p1 $0x0  }
0x2b: {  	s13 =	simm.s32 @!p0 $0x0;
	_ =	swait.ge [sflag:s5], s12  }
0x2c: {  	s14 =	sshll.u32 s13, $0xB;
	s12 =	ssub.s32 $0x0, s12;
	[sflag:s5] =	ssyncset.done $0x0  }
0x2d: {  	s15 =	sor.u32 $0x40, s14;
	[sflag:s5] =	ssyncadd.s32 s12  }
0x2e: {  	v2 =	vld [tilespmem:s15+$0x30]  }
0x2f: {  	s30 =	smul.u32 $0x2040, s13;
	v4 =	vld [tilespmem:s15+$0xFFFFFFD0]  }
0x30: {  	v5 =	vld [tilespmem:s15+$0xFFFFFFE0]  }
0x31: {  	s31 =	sand.u32 $0x1, s10;
	s12 =	sshrl.u32 s30, $0x2;
	v0 =	vld [tilespmem:s15+$0xFFFFFFF0]  }
0x32: {  	s13 =	smul.u32 $0x2040, s31;
	s12 =	sor.u32 $0x1007, s12;
	v3 =	vld [tilespmem:s15+$0x0]  }
0x33: {  	v1 =	vld [tilespmem:s15+$0x10];
	[tilespmem:s12+$0x0 ss:$0x81] =	vst.msk $0xffff, v2  }
0x34: {  	s13 =	sshrl.u32 s13, $0x2;
	[tilespmem:s12+$0xFFFFFFFA ss:$0x81] =	vst.msk $0xffff, v4;
	v4 =	vld [tilespmem:s15+$0x20]  }
0x35: {  	s14 =	simm.s32 $0x0;
	s13 =	sor.u32 $0x1000, s13;
	v2 =	vld [tilespmem:s15+$0xFFFFFFC0];
	[tilespmem:s12+$0xFFFFFFFB ss:$0x81] =	vst.msk $0xffff, v5;
	s15 =	sadd.s32 $0x80, s15  }
.LBB1_3:
0x36: {  	v5 =	vld [tilespmem:s15+$0x30];
	s14 =	sadd.s32 $0x8, s14;
	[tilespmem:s12+$0xFFFFFFFC ss:$0x81] =	vst.msk $0xffff, v0  }
0x37: {  	v6 =	vld [tilespmem:s15+$0xFFFFFFD0];
	p1 =	slt.u32 s14, $0x78;
	[tilespmem:s12+$0xFFFFFFFD ss:$0x81] =	vst.msk $0xffff, v3  }
0x38: {  	v7 =	vld [tilespmem:s15+$0xFFFFFFE0];
	[tilespmem:s12+$0xFFFFFFFE ss:$0x81] =	vst.msk $0xffff, v1  }
.Ltmp3:
0x39: {  	v0 =	vld [tilespmem:s15+$0xFFFFFFF0];
	[tilespmem:s12+$0xFFFFFFFF ss:$0x81] =	vst.msk $0xffff, v4;
	(pc) =	sbr.rel @p1 .LBB1_3-.Ltmp3, $4  }
0x3a: {  	v3 =	vld [tilespmem:s15+$0x0];
	[tilespmem:s12+$0xFFFFFFF9 ss:$0x81] =	vst.msk $0xffff, v2;
	s12 =	sadd.s32 $0x8, s12  }
0x3b: {  	v1 =	vld [tilespmem:s15+$0x10];
	[tilespmem:s12+$0x0 ss:$0x81] =	vst.msk $0xffff, v5  }
0x3c: {  	[tilespmem:s12+$0xFFFFFFFA ss:$0x81] =	vst.msk $0xffff, v6;
	v4 =	vld [tilespmem:s15+$0x20]  }
0x3d: {  	v2 =	vld [tilespmem:s15+$0xFFFFFFC0];
	[tilespmem:s12+$0xFFFFFFFB ss:$0x81] =	vst.msk $0xffff, v7;
	s15 =	sadd.s32 $0x80, s15  }
0x3e: {  	s14 =	sshll.u32 s11, $0x3  }
0x3f: {  	s14 =	sand.u32 $0xFFFFFC00, s14  }
0x40: {  	s15 =	sshrl.u32 s14, $0x8  }
0x41: {  	s15 =	smulhi.u32 $0x109C3DB, s15;
	_ =	sdelay $0x1  }
0x42: {  	s15 =	sshrl.u32 s15, $0x5  }
0x43: {  	s28 =	sand.u32 $0x7F, s11;
	s16 =	smul.u32 $0x1ED300, s15  }
0x44: {  	[tilespmem:s12+$0xFFFFFFFC ss:$0x81] =	vst.msk $0xffff, v0;
	s11 =	sor.u32 s28, s14  }
.Ltmp4:
0x45: {  	[tilespmem:s12+$0xFFFFFFFD ss:$0x81] =	vst.msk $0xffff, v3;
	s29 =	sand.u32 $0xF, s15;
	s11 =	ssub.s32 s11, s16;
	(pc) =	sbr.rel .LBB1_5-.Ltmp4, $4  }
0x46: {  	[tilespmem:s12+$0xFFFFFFFE ss:$0x81] =	vst.msk $0xffff, v1;
	s14 =	smul.u32 $0x3DA60, s29;
	s30 =	sshrl.u32 s11, $0x3;
	s11 =	sand.u32 $0x7, s11  }
0x47: {  	[tilespmem:s12+$0xFFFFFFFF ss:$0x81] =	vst.msk $0xffff, v4;
	s15 =	sadd.s32 s2, s30;
	s11 =	sshll.u32 s11, $0x12  }
0x48: {  	[tilespmem:s12+$0xFFFFFFF9 ss:$0x81] =	vst.msk $0xffff, v2;
	s31 =	sadd.s32 s14, s15;
	s11 =	sor.u32 $0x400, s11  }
0x49: {  	[hbm4b:s31+s11] =	stream.strided.scatter [tilespmem:s13], [sflag:$0x2], $0x800, s8, s11, $0x20;
	[tilespmem:$0x2020] =	vst v63  }
.LBB1_6:
0x4a: {  	_ =	sfence.sel $0x180000  }
0x4b: {  	s2 =	simm.s32 $0x1;
	[bflag:$0x0] =	sbarrier.arrive $0xFFFF  }
0x4c: {  	s31 =	simm.s32 $0x2;
	[sflag:s2] =	ssyncpa.u1 $0x1  }
0x4d: {  	[sflag:s31] =	ssyncpa.u1 $0x1  }
0x4e: {  	p0 =	sne.s32 s1, $0x0;
	_ =	strace $0x90000047  }
0x4f: {  	s0 =	sadd.s32 @!p0 $0x100000, s0;
	[bflag:$0x2] =	sbarrier.arrive $0xFFFF  }
0x50: {  	[sflag:s0] =	ssyncadd.tile.s32 @!p0 $0x1;
	_ =	shalt  }
.Lfunc_end1:
_tile_overlayer_lowered:
.L_overlay_start_2:
0x51: {  	(tag) =	ssettag $0x2  }
0x52: {  	s0 =	rddreg [dreg:$0x0];
	s2 =	stileid.u32  }
0x53: {  	s1 =	rddreg [dreg:$0x1];
	p0 =	sne.s32 s2, $0x0  }
0x54: {  	s3 =	rddreg [dreg:$0x2];
	[bflag:$0x3] =	sbarrier.arrive $0xFFFF;
	s2 =	simm.s32 @!p0 $0x1C01  }
0x55: {  	[timem:s3], [sflag:s2] =	dma.local @!p0 [hbm:s0], s1  }
0x56: {  	s0 =	simm.s32 @!p0 $0x1  }
0x57: {  	_ =	swait.ge @!p0 [sflag:s0], s1  }
0x58: {  	s1 =	ssub.s32 @!p0 $0x0, s1;
	[sflag:s0] =	ssyncset.done @!p0 $0x0  }
0x59: {  	[sflag:s0] =	ssyncadd.s32 @!p0 s1  }
0x5a: {  	[bflag:$0x3] =	sbarrier.arrive $0xFFFF  }
0x5b: {  	_ =	shalt  }

</sc_bundles>
